<compile_context>
chip_gen: v7x
topology: tpu7x:2x2x1
jax: 0.10.2.dev20260603
libtpu: 0.0.44.dev20260713+nightly
codegen_flags: <defaults>
</compile_context>

<pallas_src>
import functools

import jax
import jax.numpy as jnp
from jax import lax
from jax.experimental import pallas as pl
from jax.experimental.pallas import tpu as pltpu
from jax.experimental.pallas import tpu_sc as plsc

B = 1024
T = 50
H = 128
STAT = 8
MULTI = 8
TGT = 4
NCAT = 3
VOCAB = 100
VPAD = 104

BB = 32
RB = BB * T
MT = RB * TGT
MK = RB * MULTI

NG = B * T * NCAT
NW = 32
PER_W = NG // NW
CH = 80
NIT = PER_W // CH
FK = 10
NOUT = NIT // FK


def _hilo(x):
    hi = x.astype(jnp.bfloat16)
    lo = (x - hi.astype(jnp.float32)).astype(jnp.bfloat16)
    return hi, lo


def _tc_body(meT_ref, tval_ref, xc_ref, stat_ref, sv_ref, sb_ref, mv_ref,
             mb_ref, tv_ref, tb_ref, e0_ref, e1_ref, e2_ref,
             s_out, k_out, t_out, gtab_out, idx_out, dst_out,
             tw, kw, tind, kind, cmask):
    i = pl.program_id(0)

    @pl.when(i == 0)
    def _():
        for c, e_ref in enumerate((e0_ref, e1_ref, e2_ref)):
            e = e_ref[...]
            g = 0.5 * e * (1.0 + jax.lax.erf(e * 0.7071067811865476))
            gtab_out[c * VPAD:c * VPAD + VOCAB, :] = g
        tvh, tvl = _hilo(tv_ref[...])
        tbh, tbl = _hilo(tb_ref[...])
        tw[...] = jnp.concatenate([tvh, tvl, tbh, tbl], axis=0)
        mvh, mvl = _hilo(mv_ref[NCAT:NCAT + 1, :])
        mbh, mbl = _hilo(mb_ref[NCAT:, :])
        kw[...] = jnp.concatenate([mvh, mvl, mbh, mbl], axis=0)
        lane_t = jax.lax.broadcasted_iota(jnp.int32, (2 * TGT, MT), 1) % TGT
        row_t = jax.lax.broadcasted_iota(jnp.int32, (2 * TGT, MT), 0) % TGT
        tind[...] = (lane_t == row_t).astype(jnp.bfloat16)
        lane_k = jax.lax.broadcasted_iota(jnp.int32, (2 * (MULTI - NCAT), MK),
                                          1) % MULTI
        row_k = jax.lax.broadcasted_iota(jnp.int32, (2 * (MULTI - NCAT), MK),
                                         0) % (MULTI - NCAT)
        kind[...] = (lane_k == NCAT + row_k).astype(jnp.bfloat16)
        lane_c = jax.lax.broadcasted_iota(jnp.int32, (1, MK), 1) % MULTI
        cmask[...] = (lane_c >= NCAT).astype(jnp.bfloat16)

    meT = meT_ref[0]
    crow = jax.lax.broadcasted_iota(jnp.int32, (NCAT, RB), 0)
    ilane = jax.lax.broadcasted_iota(jnp.int32, (NCAT, RB), 1)
    idx_out[0] = jnp.floor(meT).astype(jnp.int32) + crow * VPAD
    dst_out[0] = (i * RB + ilane) * MULTI + crow

    stat = stat_ref[...]
    s_out[...] = stat[:, :, None] * sv_ref[...][None] + sb_ref[...][None]

    xf = tval_ref[0].astype(jnp.bfloat16)
    tval = tind[:TGT, :] * xf
    t_lhs = jnp.concatenate([tval, tval, tind[...]], axis=0)
    t_int = jax.lax.dot_general(
        t_lhs, tw[...], (((0,), (0,)), ((), ())),
        preferred_element_type=jnp.float32)
    t_out[...] = t_int.reshape(RB, TGT, H)

    mf = xc_ref[0].astype(jnp.bfloat16)
    xc = cmask[...] * mf
    k_lhs = jnp.concatenate([xc, xc, kind[...]], axis=0)
    k_int = jax.lax.dot_general(
        k_lhs, kw[...], (((0,), (0,)), ((), ())),
        preferred_element_type=jnp.float32)
    k_out[...] = k_int.reshape(RB, MULTI, H)


def _sc_body(gtab_hbm, idx_hbm, dst_hbm, k_hbm, tok_out,
             idx_v, dst_v, rows_v, sem):
    wid = lax.axis_index("s") * 2 + lax.axis_index("c")

    pltpu.sync_copy(idx_hbm.at[wid], idx_v)
    pltpu.sync_copy(dst_hbm.at[wid], dst_v)

    def it_body(it, carry):
        gcps = [pltpu.make_async_copy(
            gtab_hbm.at[idx_v.at[it, j]], rows_v.at[j], sem)
            for j in range(FK)]
        for cp in gcps:
            cp.start()
        for cp in gcps:
            cp.wait()
        scps = [pltpu.make_async_copy(
            rows_v.at[j], k_hbm.at[dst_v.at[it, j]], sem)
            for j in range(FK)]
        for cp in scps:
            cp.start()
        for cp in scps:
            cp.wait()
        return carry

    lax.fori_loop(0, NOUT, it_body, 0)


_sc_gather = functools.partial(
    pl.kernel,
    out_type=jax.ShapeDtypeStruct((8, 128), jnp.float32),
    mesh=plsc.VectorSubcoreMesh(core_axis_name="c", subcore_axis_name="s"),
    scratch_types=[pltpu.VMEM((NOUT, FK, CH), jnp.int32),
                   pltpu.VMEM((NOUT, FK, CH), jnp.int32),
                   pltpu.VMEM((FK, CH, H), jnp.float32),
                   pltpu.SemaphoreType.DMA],
    compiler_params=pltpu.CompilerParams(has_side_effects=True),
)(_sc_body)


@jax.jit
def kernel(target_inp, stat_exog, multi_exog, stat_vec, stat_bias, multi_vec,
           multi_bias, tgt_vec, tgt_bias, emb0, emb1, emb2):
    nsteps = B // BB
    me2 = multi_exog.reshape(B * T, MULTI)
    meT = (me2[:, :NCAT].reshape(nsteps, RB, NCAT)
           .transpose(0, 2, 1).copy())
    tval = target_inp.reshape(nsteps, 1, MT)
    xc = multi_exog.reshape(nsteps, 1, MK)

    full = lambda shape: pl.BlockSpec(shape, lambda i: (0,) * len(shape))

    s2, k2, t2, gtab, idxg, dstg = pl.pallas_call(
        _tc_body,
        grid=(nsteps,),
        in_specs=[
            pl.BlockSpec((1, NCAT, RB), lambda i: (i, 0, 0)),
            pl.BlockSpec((1, 1, MT), lambda i: (i, 0, 0)),
            pl.BlockSpec((1, 1, MK), lambda i: (i, 0, 0)),
            pl.BlockSpec((BB, STAT), lambda i: (i, 0)),
            full((STAT, H)), full((STAT, H)),
            full((MULTI, H)), full((MULTI, H)),
            full((TGT, H)), full((TGT, H)),
            full((VOCAB, H)), full((VOCAB, H)), full((VOCAB, H)),
        ],
        out_specs=[
            pl.BlockSpec((BB, STAT, H), lambda i: (i, 0, 0)),
            pl.BlockSpec((RB, MULTI, H), lambda i: (i, 0, 0)),
            pl.BlockSpec((RB, TGT, H), lambda i: (i, 0, 0)),
            full((NCAT * VPAD, H)),
            pl.BlockSpec((1, NCAT, RB), lambda i: (i, 0, 0)),
            pl.BlockSpec((1, NCAT, RB), lambda i: (i, 0, 0)),
        ],
        out_shape=[
            jax.ShapeDtypeStruct((B, STAT, H), jnp.float32),
            jax.ShapeDtypeStruct((B * T, MULTI, H), jnp.float32),
            jax.ShapeDtypeStruct((B * T, TGT, H), jnp.float32),
            jax.ShapeDtypeStruct((NCAT * VPAD, H), jnp.float32),
            jax.ShapeDtypeStruct((nsteps, NCAT, RB), jnp.int32),
            jax.ShapeDtypeStruct((nsteps, NCAT, RB), jnp.int32),
        ],
        scratch_shapes=[pltpu.VMEM((4 * TGT, H), jnp.bfloat16),
                        pltpu.VMEM((2 + 2 * (MULTI - NCAT), H), jnp.bfloat16),
                        pltpu.VMEM((2 * TGT, MT), jnp.bfloat16),
                        pltpu.VMEM((2 * (MULTI - NCAT), MK), jnp.bfloat16),
                        pltpu.VMEM((1, MK), jnp.bfloat16)],
    )(meT, tval, xc, stat_exog, stat_vec, stat_bias, multi_vec, multi_bias,
      tgt_vec, tgt_bias, emb0, emb1, emb2)

    tok = _sc_gather(gtab, idxg.reshape(NW, NOUT, FK, CH),
                     dstg.reshape(NW, NOUT, FK, CH),
                     k2.reshape(B * T * MULTI, H))
    k2b, _ = jax.lax.optimization_barrier((k2, tok))

    return (s2, k2b.reshape(B, T, MULTI, H), t2.reshape(B, T, TGT, H))

# --- scband reference (transcript-rebuilt; emitter-appended) ---
"""Pipeline reference for scband-tftembedding-48687749267755 (READ-ONLY COPY).

The authoritative reference and input builder live on the scoring server;
editing this copy changes nothing except your own understanding.
"""

import jax, jax.numpy as jnp
import numpy as np

B = 1024
T = 50
H = 128
STAT = 8
MULTI = 8
TGT = 4
NCAT = 3
VOCAB = 100


def _xavier(key, shape):
    std = (2.0 / (shape[0] + shape[1])) ** 0.5
    return jax.random.normal(key, shape, dtype=jnp.float32) * std


def setup_inputs(seed: int = 0) -> dict:
    key = jax.random.key(seed)
    ks = jax.random.split(key, 10)
    return {
        "target_inp": jax.random.normal(ks[0], (B, T, TGT), dtype=jnp.float32),
        "stat_exog": jax.random.normal(ks[1], (B, STAT), dtype=jnp.float32),
        "multi_exog": jax.random.uniform(ks[2], (B, T, MULTI), dtype=jnp.float32),
        "stat_vec": _xavier(ks[3], (STAT, H)),
        "stat_bias": jnp.zeros((STAT, H), jnp.float32),
        "multi_vec": _xavier(ks[4], (MULTI, H)),
        "multi_bias": jnp.zeros((MULTI, H), jnp.float32),
        "tgt_vec": _xavier(ks[5], (TGT, H)),
        "tgt_bias": jnp.zeros((TGT, H), jnp.float32),
        "emb0": jax.random.normal(ks[6], (VOCAB, H), dtype=jnp.float32),
        "emb1": jax.random.normal(ks[7], (VOCAB, H), dtype=jnp.float32),
        "emb2": jax.random.normal(ks[8], (VOCAB, H), dtype=jnp.float32),
    }


def reference(target_inp, stat_exog, multi_exog, stat_vec, stat_bias, multi_vec, multi_bias, tgt_vec, tgt_bias, emb0, emb1, emb2):
    # --- static exog path (n_categorical_stat == 0): pure continuous embedding ---
    s_inp = (stat_exog[:, :, None] * stat_vec + stat_bias).astype(jnp.float32)

    # --- multivariate exog path: first NCAT columns are categorical indices ---
    continuous = multi_exog[:, :, NCAT:]
    cont_emb_continuous = multi_vec[NCAT]          # NOTE: single row indexing, faithful to original code
    cont_bias_continuous = multi_bias[NCAT:]
    continuous_transformed = continuous[..., None] * cont_emb_continuous + cont_bias_continuous
    categorical = jax.lax.stop_gradient(multi_exog[:, :, :NCAT]).astype(jnp.int32)
    tables = [emb0, emb1, emb2]
    reps = [jnp.take(tables[i], categorical[:, :, i], axis=0) for i in range(NCAT)]
    embedding = jax.nn.gelu(jnp.stack(reps, axis=1), approximate=False)  # [B, NCAT, T, H]
    embedding = jnp.transpose(embedding, (0, 2, 1, 3))                    # [B, T, NCAT, H]
    k_inp = jnp.concatenate([embedding, continuous_transformed], axis=2).astype(jnp.float32)

    # --- target path: broadcasted matmul ---
    t = jnp.matmul(target_inp[:, :, :, None, None], tgt_vec[:, None, :])  # [B, T, TGT, 1, H]
    t = jnp.squeeze(t, axis=3) + tgt_bias                                  # [B, T, TGT, H]
    return (s_inp, k_inp, t)

if __name__ == "__main__":
    import jax
    _d = setup_inputs()
    print(jax.jit(kernel)(*tuple(_d.values())))

</pallas_src>

<mosaic_0001>
#map = affine_map<(d0, d1) -> (0, 0)>
#map1 = affine_map<(d0, d1) -> (0, 0, 0, 0)>
module attributes {stable_mosaic.version = 14 : i64} {
  func.func @_sc_body(%arg0: i32, %arg1: i32, %arg2: memref<312x128xf32, #tpu.memory_space<hbm>>, %arg3: memref<32x6x10x80xi32, #tpu.memory_space<hbm>>, %arg4: memref<32x6x10x80xi32, #tpu.memory_space<hbm>>, %arg5: memref<409600x128xf32, #tpu.memory_space<hbm>>, %arg6: memref<8x128xf32, #tpu.memory_space<hbm>>, %arg7: memref<6x10x80xi32, #tpu.memory_space<vmem>>, %arg8: memref<6x10x80xi32, #tpu.memory_space<vmem>>, %arg9: memref<10x80x128xf32, #tpu.memory_space<vmem>>, %arg10: memref<!tpu.dma_semaphore, #tpu.memory_space<semaphore_mem>>) attributes {dimension_semantics = [#tpu.dimension_semantics<core_parallel>, #tpu.dimension_semantics<subcore_parallel>], iteration_bounds = array<i64: 2, 16>, scalar_prefetch = 0 : i64, scratch_operands = 4 : i64, tpu.core_type = #tpu.core_type<sc_vector_subcore>, window_params = [{transform_indices = #map}, {transform_indices = #map1}, {transform_indices = #map1}, {transform_indices = #map}, {transform_indices = #map}]} {
    %mul3A = arith.constant 2 : i32
    %mul3A_0 = arith.muli %arg1, %mul3A : i32
    %add3A = arith.addi %mul3A_0, %arg0 : i32
    "tpu.region"() ({
      %run_scoped3A = tpu.sem_alloc : memref<!tpu.dma_semaphore, #tpu.memory_space<semaphore_mem>>
      %dma_start3A = arith.constant 0 : i32
      %dma_start3A_6 = arith.constant 0 : i32
      %dma_start3A_7 = arith.constant 0 : i32
      %dma_start3A_8 = tpu.memref_slice %arg3[%add3A, %dma_start3A, %dma_start3A_6, %dma_start3A_7] : memref<32x6x10x80xi32, #tpu.memory_space<hbm>> -> memref<1x6x10x80xi32, #tpu.memory_space<hbm>>
      %dma_start3A_9 = tpu.memref_squeeze %dma_start3A_8 : memref<1x6x10x80xi32, #tpu.memory_space<hbm>> -> memref<6x10x80xi32, #tpu.memory_space<hbm>>
      %dma_start3A_10 = arith.constant 0 : i32
      %dma_start3A_11 = arith.constant 0 : i32
      %dma_start3A_12 = arith.constant 0 : i32
      %dma_start3A_13 = tpu.memref_slice %arg3[%add3A, %dma_start3A_10, %dma_start3A_11, %dma_start3A_12] : memref<32x6x10x80xi32, #tpu.memory_space<hbm>> -> memref<1x6x10x80xi32, #tpu.memory_space<hbm>>
      %dma_start3A_14 = tpu.memref_squeeze %dma_start3A_13 : memref<1x6x10x80xi32, #tpu.memory_space<hbm>> -> memref<6x10x80xi32, #tpu.memory_space<hbm>>
      tpu.enqueue_dma source(%dma_start3A_14 : memref<6x10x80xi32, #tpu.memory_space<hbm>>) target(%arg7 : memref<6x10x80xi32, #tpu.memory_space<vmem>>) target_semaphore(%run_scoped3A : memref<!tpu.dma_semaphore, #tpu.memory_space<semaphore_mem>>)
      %dma_wait3A = arith.constant 0 : i32
      %dma_wait3A_15 = arith.constant 0 : i32
      %dma_wait3A_16 = arith.constant 0 : i32
      %dma_wait3A_17 = tpu.memref_slice %arg3[%add3A, %dma_wait3A, %dma_wait3A_15, %dma_wait3A_16] : memref<32x6x10x80xi32, #tpu.memory_space<hbm>> -> memref<1x6x10x80xi32, #tpu.memory_space<hbm>>
      %dma_wait3A_18 = tpu.memref_squeeze %dma_wait3A_17 : memref<1x6x10x80xi32, #tpu.memory_space<hbm>> -> memref<6x10x80xi32, #tpu.memory_space<hbm>>
      %dma_wait3A_19 = arith.constant 0 : i32
      %dma_wait3A_20 = arith.constant 0 : i32
      %dma_wait3A_21 = arith.constant 0 : i32
      %dma_wait3A_22 = tpu.memref_slice %arg3[%add3A, %dma_wait3A_19, %dma_wait3A_20, %dma_wait3A_21] : memref<32x6x10x80xi32, #tpu.memory_space<hbm>> -> memref<1x6x10x80xi32, #tpu.memory_space<hbm>>
      %dma_wait3A_23 = tpu.memref_squeeze %dma_wait3A_22 : memref<1x6x10x80xi32, #tpu.memory_space<hbm>> -> memref<6x10x80xi32, #tpu.memory_space<hbm>>
      tpu.wait_dma2 semaphore(%run_scoped3A : memref<!tpu.dma_semaphore, #tpu.memory_space<semaphore_mem>>) src(%dma_wait3A_23 : memref<6x10x80xi32, #tpu.memory_space<hbm>>) dst(%arg7 : memref<6x10x80xi32, #tpu.memory_space<vmem>>)
      tpu.yield
    }) : () -> ()
    "tpu.region"() ({
      %run_scoped3A = tpu.sem_alloc : memref<!tpu.dma_semaphore, #tpu.memory_space<semaphore_mem>>
      %dma_start3A = arith.constant 0 : i32
      %dma_start3A_6 = arith.constant 0 : i32
      %dma_start3A_7 = arith.constant 0 : i32
      %dma_start3A_8 = tpu.memref_slice %arg4[%add3A, %dma_start3A, %dma_start3A_6, %dma_start3A_7] : memref<32x6x10x80xi32, #tpu.memory_space<hbm>> -> memref<1x6x10x80xi32, #tpu.memory_space<hbm>>
      %dma_start3A_9 = tpu.memref_squeeze %dma_start3A_8 : memref<1x6x10x80xi32, #tpu.memory_space<hbm>> -> memref<6x10x80xi32, #tpu.memory_space<hbm>>
      %dma_start3A_10 = arith.constant 0 : i32
      %dma_start3A_11 = arith.constant 0 : i32
      %dma_start3A_12 = arith.constant 0 : i32
      %dma_start3A_13 = tpu.memref_slice %arg4[%add3A, %dma_start3A_10, %dma_start3A_11, %dma_start3A_12] : memref<32x6x10x80xi32, #tpu.memory_space<hbm>> -> memref<1x6x10x80xi32, #tpu.memory_space<hbm>>
      %dma_start3A_14 = tpu.memref_squeeze %dma_start3A_13 : memref<1x6x10x80xi32, #tpu.memory_space<hbm>> -> memref<6x10x80xi32, #tpu.memory_space<hbm>>
      tpu.enqueue_dma source(%dma_start3A_14 : memref<6x10x80xi32, #tpu.memory_space<hbm>>) target(%arg8 : memref<6x10x80xi32, #tpu.memory_space<vmem>>) target_semaphore(%run_scoped3A : memref<!tpu.dma_semaphore, #tpu.memory_space<semaphore_mem>>)
      %dma_wait3A = arith.constant 0 : i32
      %dma_wait3A_15 = arith.constant 0 : i32
      %dma_wait3A_16 = arith.constant 0 : i32
      %dma_wait3A_17 = tpu.memref_slice %arg4[%add3A, %dma_wait3A, %dma_wait3A_15, %dma_wait3A_16] : memref<32x6x10x80xi32, #tpu.memory_space<hbm>> -> memref<1x6x10x80xi32, #tpu.memory_space<hbm>>
      %dma_wait3A_18 = tpu.memref_squeeze %dma_wait3A_17 : memref<1x6x10x80xi32, #tpu.memory_space<hbm>> -> memref<6x10x80xi32, #tpu.memory_space<hbm>>
      %dma_wait3A_19 = arith.constant 0 : i32
      %dma_wait3A_20 = arith.constant 0 : i32
      %dma_wait3A_21 = arith.constant 0 : i32
      %dma_wait3A_22 = tpu.memref_slice %arg4[%add3A, %dma_wait3A_19, %dma_wait3A_20, %dma_wait3A_21] : memref<32x6x10x80xi32, #tpu.memory_space<hbm>> -> memref<1x6x10x80xi32, #tpu.memory_space<hbm>>
      %dma_wait3A_23 = tpu.memref_squeeze %dma_wait3A_22 : memref<1x6x10x80xi32, #tpu.memory_space<hbm>> -> memref<6x10x80xi32, #tpu.memory_space<hbm>>
      tpu.wait_dma2 semaphore(%run_scoped3A : memref<!tpu.dma_semaphore, #tpu.memory_space<semaphore_mem>>) src(%dma_wait3A_23 : memref<6x10x80xi32, #tpu.memory_space<hbm>>) dst(%arg8 : memref<6x10x80xi32, #tpu.memory_space<vmem>>)
      tpu.yield
    }) : () -> ()
    %scan3A = arith.constant 0 : i32
    %scan3A_1 = arith.constant 0 : i32
    %scan3A_2 = arith.constant 6 : i32
    %scan3A_3 = arith.addi %scan3A_1, %scan3A_2 : i32
    %scan3A_4 = arith.constant 1 : i32
    scf.for %scan3A_6 = %scan3A_1 to %scan3A_3 step %scan3A_4  : i32 {
      %dma_start3A = arith.constant 0 : i32
      %dma_start3A_7 = arith.constant 0 : i32
      %dma_start3A_8 = arith.constant 0 : i32
      %dma_start3A_9 = arith.constant 0 : i32
      %dma_start3A_10 = tpu.memref_slice %arg9[%dma_start3A_7, %dma_start3A_8, %dma_start3A_9] : memref<10x80x128xf32, #tpu.memory_space<vmem>> -> memref<1x80x128xf32, #tpu.memory_space<vmem>>
      %dma_start3A_11 = tpu.memref_squeeze %dma_start3A_10 : memref<1x80x128xf32, #tpu.memory_space<vmem>> -> memref<80x128xf32, #tpu.memory_space<vmem>>
      %dma_start3A_12 = arith.constant 0 : i32
      %dma_start3A_13 = tpu.memref_slice %arg7[%scan3A_6, %dma_start3A, %dma_start3A_12] : memref<6x10x80xi32, #tpu.memory_space<vmem>> -> memref<1x1x80xi32, #tpu.memory_space<vmem>>
      %dma_start3A_14 = tpu.memref_squeeze %dma_start3A_13 : memref<1x1x80xi32, #tpu.memory_space<vmem>> -> memref<80xi32, #tpu.memory_space<vmem>>
      %dma_start3A_15 = arith.constant 0 : i32
      %dma_start3A_16 = arith.constant 0 : i32
      %dma_start3A_17 = tpu.memref_slice %arg2[%dma_start3A_15, %dma_start3A_16] : memref<312x128xf32, #tpu.memory_space<hbm>> -> memref<312x128xf32, #tpu.memory_space<hbm>>
      tpu.enqueue_indirect_dma source(%dma_start3A_17 : memref<312x128xf32, #tpu.memory_space<hbm>>) target(%dma_start3A_11 : memref<80x128xf32, #tpu.memory_space<vmem>>) offsets(%dma_start3A_14 : memref<80xi32, #tpu.memory_space<vmem>>) semaphore(%arg10 : memref<!tpu.dma_semaphore, #tpu.memory_space<semaphore_mem>>)
      %dma_start3A_18 = arith.constant 1 : i32
      %dma_start3A_19 = arith.constant 1 : i32
      %dma_start3A_20 = arith.constant 0 : i32
      %dma_start3A_21 = arith.constant 0 : i32
      %dma_start3A_22 = tpu.memref_slice %arg9[%dma_start3A_19, %dma_start3A_20, %dma_start3A_21] : memref<10x80x128xf32, #tpu.memory_space<vmem>> -> memref<1x80x128xf32, #tpu.memory_space<vmem>>
      %dma_start3A_23 = tpu.memref_squeeze %dma_start3A_22 : memref<1x80x128xf32, #tpu.memory_space<vmem>> -> memref<80x128xf32, #tpu.memory_space<vmem>>
      %dma_start3A_24 = arith.constant 0 : i32
      %dma_start3A_25 = tpu.memref_slice %arg7[%scan3A_6, %dma_start3A_18, %dma_start3A_24] : memref<6x10x80xi32, #tpu.memory_space<vmem>> -> memref<1x1x80xi32, #tpu.memory_space<vmem>>
      %dma_start3A_26 = tpu.memref_squeeze %dma_start3A_25 : memref<1x1x80xi32, #tpu.memory_space<vmem>> -> memref<80xi32, #tpu.memory_space<vmem>>
      %dma_start3A_27 = arith.constant 0 : i32
      %dma_start3A_28 = arith.constant 0 : i32
      %dma_start3A_29 = tpu.memref_slice %arg2[%dma_start3A_27, %dma_start3A_28] : memref<312x128xf32, #tpu.memory_space<hbm>> -> memref<312x128xf32, #tpu.memory_space<hbm>>
      tpu.enqueue_indirect_dma source(%dma_start3A_29 : memref<312x128xf32, #tpu.memory_space<hbm>>) target(%dma_start3A_23 : memref<80x128xf32, #tpu.memory_space<vmem>>) offsets(%dma_start3A_26 : memref<80xi32, #tpu.memory_space<vmem>>) semaphore(%arg10 : memref<!tpu.dma_semaphore, #tpu.memory_space<semaphore_mem>>)
      %dma_start3A_30 = arith.constant 2 : i32
      %dma_start3A_31 = arith.constant 2 : i32
      %dma_start3A_32 = arith.constant 0 : i32
      %dma_start3A_33 = arith.constant 0 : i32
      %dma_start3A_34 = tpu.memref_slice %arg9[%dma_start3A_31, %dma_start3A_32, %dma_start3A_33] : memref<10x80x128xf32, #tpu.memory_space<vmem>> -> memref<1x80x128xf32, #tpu.memory_space<vmem>>
      %dma_start3A_35 = tpu.memref_squeeze %dma_start3A_34 : memref<1x80x128xf32, #tpu.memory_space<vmem>> -> memref<80x128xf32, #tpu.memory_space<vmem>>
      %dma_start3A_36 = arith.constant 0 : i32
      %dma_start3A_37 = tpu.memref_slice %arg7[%scan3A_6, %dma_start3A_30, %dma_start3A_36] : memref<6x10x80xi32, #tpu.memory_space<vmem>> -> memref<1x1x80xi32, #tpu.memory_space<vmem>>
      %dma_start3A_38 = tpu.memref_squeeze %dma_start3A_37 : memref<1x1x80xi32, #tpu.memory_space<vmem>> -> memref<80xi32, #tpu.memory_space<vmem>>
      %dma_start3A_39 = arith.constant 0 : i32
      %dma_start3A_40 = arith.constant 0 : i32
      %dma_start3A_41 = tpu.memref_slice %arg2[%dma_start3A_39, %dma_start3A_40] : memref<312x128xf32, #tpu.memory_space<hbm>> -> memref<312x128xf32, #tpu.memory_space<hbm>>
      tpu.enqueue_indirect_dma source(%dma_start3A_41 : memref<312x128xf32, #tpu.memory_space<hbm>>) target(%dma_start3A_35 : memref<80x128xf32, #tpu.memory_space<vmem>>) offsets(%dma_start3A_38 : memref<80xi32, #tpu.memory_space<vmem>>) semaphore(%arg10 : memref<!tpu.dma_semaphore, #tpu.memory_space<semaphore_mem>>)
      %dma_start3A_42 = arith.constant 3 : i32
      %dma_start3A_43 = arith.constant 3 : i32
      %dma_start3A_44 = arith.constant 0 : i32
      %dma_start3A_45 = arith.constant 0 : i32
      %dma_start3A_46 = tpu.memref_slice %arg9[%dma_start3A_43, %dma_start3A_44, %dma_start3A_45] : memref<10x80x128xf32, #tpu.memory_space<vmem>> -> memref<1x80x128xf32, #tpu.memory_space<vmem>>
      %dma_start3A_47 = tpu.memref_squeeze %dma_start3A_46 : memref<1x80x128xf32, #tpu.memory_space<vmem>> -> memref<80x128xf32, #tpu.memory_space<vmem>>
      %dma_start3A_48 = arith.constant 0 : i32
      %dma_start3A_49 = tpu.memref_slice %arg7[%scan3A_6, %dma_start3A_42, %dma_start3A_48] : memref<6x10x80xi32, #tpu.memory_space<vmem>> -> memref<1x1x80xi32, #tpu.memory_space<vmem>>
      %dma_start3A_50 = tpu.memref_squeeze %dma_start3A_49 : memref<1x1x80xi32, #tpu.memory_space<vmem>> -> memref<80xi32, #tpu.memory_space<vmem>>
      %dma_start3A_51 = arith.constant 0 : i32
      %dma_start3A_52 = arith.constant 0 : i32
      %dma_start3A_53 = tpu.memref_slice %arg2[%dma_start3A_51, %dma_start3A_52] : memref<312x128xf32, #tpu.memory_space<hbm>> -> memref<312x128xf32, #tpu.memory_space<hbm>>
      tpu.enqueue_indirect_dma source(%dma_start3A_53 : memref<312x128xf32, #tpu.memory_space<hbm>>) target(%dma_start3A_47 : memref<80x128xf32, #tpu.memory_space<vmem>>) offsets(%dma_start3A_50 : memref<80xi32, #tpu.memory_space<vmem>>) semaphore(%arg10 : memref<!tpu.dma_semaphore, #tpu.memory_space<semaphore_mem>>)
      %dma_start3A_54 = arith.constant 4 : i32
      %dma_start3A_55 = arith.constant 4 : i32
      %dma_start3A_56 = arith.constant 0 : i32
      %dma_start3A_57 = arith.constant 0 : i32
      %dma_start3A_58 = tpu.memref_slice %arg9[%dma_start3A_55, %dma_start3A_56, %dma_start3A_57] : memref<10x80x128xf32, #tpu.memory_space<vmem>> -> memref<1x80x128xf32, #tpu.memory_space<vmem>>
      %dma_start3A_59 = tpu.memref_squeeze %dma_start3A_58 : memref<1x80x128xf32, #tpu.memory_space<vmem>> -> memref<80x128xf32, #tpu.memory_space<vmem>>
      %dma_start3A_60 = arith.constant 0 : i32
      %dma_start3A_61 = tpu.memref_slice %arg7[%scan3A_6, %dma_start3A_54, %dma_start3A_60] : memref<6x10x80xi32, #tpu.memory_space<vmem>> -> memref<1x1x80xi32, #tpu.memory_space<vmem>>
      %dma_start3A_62 = tpu.memref_squeeze %dma_start3A_61 : memref<1x1x80xi32, #tpu.memory_space<vmem>> -> memref<80xi32, #tpu.memory_space<vmem>>
      %dma_start3A_63 = arith.constant 0 : i32
      %dma_start3A_64 = arith.constant 0 : i32
      %dma_start3A_65 = tpu.memref_slice %arg2[%dma_start3A_63, %dma_start3A_64] : memref<312x128xf32, #tpu.memory_space<hbm>> -> memref<312x128xf32, #tpu.memory_space<hbm>>
      tpu.enqueue_indirect_dma source(%dma_start3A_65 : memref<312x128xf32, #tpu.memory_space<hbm>>) target(%dma_start3A_59 : memref<80x128xf32, #tpu.memory_space<vmem>>) offsets(%dma_start3A_62 : memref<80xi32, #tpu.memory_space<vmem>>) semaphore(%arg10 : memref<!tpu.dma_semaphore, #tpu.memory_space<semaphore_mem>>)
      %dma_start3A_66 = arith.constant 5 : i32
      %dma_start3A_67 = arith.constant 5 : i32
      %dma_start3A_68 = arith.constant 0 : i32
      %dma_start3A_69 = arith.constant 0 : i32
      %dma_start3A_70 = tpu.memref_slice %arg9[%dma_start3A_67, %dma_start3A_68, %dma_start3A_69] : memref<10x80x128xf32, #tpu.memory_space<vmem>> -> memref<1x80x128xf32, #tpu.memory_space<vmem>>
      %dma_start3A_71 = tpu.memref_squeeze %dma_start3A_70 : memref<1x80x128xf32, #tpu.memory_space<vmem>> -> memref<80x128xf32, #tpu.memory_space<vmem>>
      %dma_start3A_72 = arith.constant 0 : i32
      %dma_start3A_73 = tpu.memref_slice %arg7[%scan3A_6, %dma_start3A_66, %dma_start3A_72] : memref<6x10x80xi32, #tpu.memory_space<vmem>> -> memref<1x1x80xi32, #tpu.memory_space<vmem>>
      %dma_start3A_74 = tpu.memref_squeeze %dma_start3A_73 : memref<1x1x80xi32, #tpu.memory_space<vmem>> -> memref<80xi32, #tpu.memory_space<vmem>>
      %dma_start3A_75 = arith.constant 0 : i32
      %dma_start3A_76 = arith.constant 0 : i32
      %dma_start3A_77 = tpu.memref_slice %arg2[%dma_start3A_75, %dma_start3A_76] : memref<312x128xf32, #tpu.memory_space<hbm>> -> memref<312x128xf32, #tpu.memory_space<hbm>>
      tpu.enqueue_indirect_dma source(%dma_start3A_77 : memref<312x128xf32, #tpu.memory_space<hbm>>) target(%dma_start3A_71 : memref<80x128xf32, #tpu.memory_space<vmem>>) offsets(%dma_start3A_74 : memref<80xi32, #tpu.memory_space<vmem>>) semaphore(%arg10 : memref<!tpu.dma_semaphore, #tpu.memory_space<semaphore_mem>>)
      %dma_start3A_78 = arith.constant 6 : i32
      %dma_start3A_79 = arith.constant 6 : i32
      %dma_start3A_80 = arith.constant 0 : i32
      %dma_start3A_81 = arith.constant 0 : i32
      %dma_start3A_82 = tpu.memref_slice %arg9[%dma_start3A_79, %dma_start3A_80, %dma_start3A_81] : memref<10x80x128xf32, #tpu.memory_space<vmem>> -> memref<1x80x128xf32, #tpu.memory_space<vmem>>
      %dma_start3A_83 = tpu.memref_squeeze %dma_start3A_82 : memref<1x80x128xf32, #tpu.memory_space<vmem>> -> memref<80x128xf32, #tpu.memory_space<vmem>>
      %dma_start3A_84 = arith.constant 0 : i32
      %dma_start3A_85 = tpu.memref_slice %arg7[%scan3A_6, %dma_start3A_78, %dma_start3A_84] : memref<6x10x80xi32, #tpu.memory_space<vmem>> -> memref<1x1x80xi32, #tpu.memory_space<vmem>>
      %dma_start3A_86 = tpu.memref_squeeze %dma_start3A_85 : memref<1x1x80xi32, #tpu.memory_space<vmem>> -> memref<80xi32, #tpu.memory_space<vmem>>
      %dma_start3A_87 = arith.constant 0 : i32
      %dma_start3A_88 = arith.constant 0 : i32
      %dma_start3A_89 = tpu.memref_slice %arg2[%dma_start3A_87, %dma_start3A_88] : memref<312x128xf32, #tpu.memory_space<hbm>> -> memref<312x128xf32, #tpu.memory_space<hbm>>
      tpu.enqueue_indirect_dma source(%dma_start3A_89 : memref<312x128xf32, #tpu.memory_space<hbm>>) target(%dma_start3A_83 : memref<80x128xf32, #tpu.memory_space<vmem>>) offsets(%dma_start3A_86 : memref<80xi32, #tpu.memory_space<vmem>>) semaphore(%arg10 : memref<!tpu.dma_semaphore, #tpu.memory_space<semaphore_mem>>)
      %dma_start3A_90 = arith.constant 7 : i32
      %dma_start3A_91 = arith.constant 7 : i32
      %dma_start3A_92 = arith.constant 0 : i32
      %dma_start3A_93 = arith.constant 0 : i32
      %dma_start3A_94 = tpu.memref_slice %arg9[%dma_start3A_91, %dma_start3A_92, %dma_start3A_93] : memref<10x80x128xf32, #tpu.memory_space<vmem>> -> memref<1x80x128xf32, #tpu.memory_space<vmem>>
      %dma_start3A_95 = tpu.memref_squeeze %dma_start3A_94 : memref<1x80x128xf32, #tpu.memory_space<vmem>> -> memref<80x128xf32, #tpu.memory_space<vmem>>
      %dma_start3A_96 = arith.constant 0 : i32
      %dma_start3A_97 = tpu.memref_slice %arg7[%scan3A_6, %dma_start3A_90, %dma_start3A_96] : memref<6x10x80xi32, #tpu.memory_space<vmem>> -> memref<1x1x80xi32, #tpu.memory_space<vmem>>
      %dma_start3A_98 = tpu.memref_squeeze %dma_start3A_97 : memref<1x1x80xi32, #tpu.memory_space<vmem>> -> memref<80xi32, #tpu.memory_space<vmem>>
      %dma_start3A_99 = arith.constant 0 : i32
      %dma_start3A_100 = arith.constant 0 : i32
      %dma_start3A_101 = tpu.memref_slice %arg2[%dma_start3A_99, %dma_start3A_100] : memref<312x128xf32, #tpu.memory_space<hbm>> -> memref<312x128xf32, #tpu.memory_space<hbm>>
      tpu.enqueue_indirect_dma source(%dma_start3A_101 : memref<312x128xf32, #tpu.memory_space<hbm>>) target(%dma_start3A_95 : memref<80x128xf32, #tpu.memory_space<vmem>>) offsets(%dma_start3A_98 : memref<80xi32, #tpu.memory_space<vmem>>) semaphore(%arg10 : memref<!tpu.dma_semaphore, #tpu.memory_space<semaphore_mem>>)
      %dma_start3A_102 = arith.constant 8 : i32
      %dma_start3A_103 = arith.constant 8 : i32
      %dma_start3A_104 = arith.constant 0 : i32
      %dma_start3A_105 = arith.constant 0 : i32
      %dma_start3A_106 = tpu.memref_slice %arg9[%dma_start3A_103, %dma_start3A_104, %dma_start3A_105] : memref<10x80x128xf32, #tpu.memory_space<vmem>> -> memref<1x80x128xf32, #tpu.memory_space<vmem>>
      %dma_start3A_107 = tpu.memref_squeeze %dma_start3A_106 : memref<1x80x128xf32, #tpu.memory_space<vmem>> -> memref<80x128xf32, #tpu.memory_space<vmem>>
      %dma_start3A_108 = arith.constant 0 : i32
      %dma_start3A_109 = tpu.memref_slice %arg7[%scan3A_6, %dma_start3A_102, %dma_start3A_108] : memref<6x10x80xi32, #tpu.memory_space<vmem>> -> memref<1x1x80xi32, #tpu.memory_space<vmem>>
      %dma_start3A_110 = tpu.memref_squeeze %dma_start3A_109 : memref<1x1x80xi32, #tpu.memory_space<vmem>> -> memref<80xi32, #tpu.memory_space<vmem>>
      %dma_start3A_111 = arith.constant 0 : i32
      %dma_start3A_112 = arith.constant 0 : i32
      %dma_start3A_113 = tpu.memref_slice %arg2[%dma_start3A_111, %dma_start3A_112] : memref<312x128xf32, #tpu.memory_space<hbm>> -> memref<312x128xf32, #tpu.memory_space<hbm>>
      tpu.enqueue_indirect_dma source(%dma_start3A_113 : memref<312x128xf32, #tpu.memory_space<hbm>>) target(%dma_start3A_107 : memref<80x128xf32, #tpu.memory_space<vmem>>) offsets(%dma_start3A_110 : memref<80xi32, #tpu.memory_space<vmem>>) semaphore(%arg10 : memref<!tpu.dma_semaphore, #tpu.memory_space<semaphore_mem>>)
      %dma_start3A_114 = arith.constant 9 : i32
      %dma_start3A_115 = arith.constant 9 : i32
      %dma_start3A_116 = arith.constant 0 : i32
      %dma_start3A_117 = arith.constant 0 : i32
      %dma_start3A_118 = tpu.memref_slice %arg9[%dma_start3A_115, %dma_start3A_116, %dma_start3A_117] : memref<10x80x128xf32, #tpu.memory_space<vmem>> -> memref<1x80x128xf32, #tpu.memory_space<vmem>>
      %dma_start3A_119 = tpu.memref_squeeze %dma_start3A_118 : memref<1x80x128xf32, #tpu.memory_space<vmem>> -> memref<80x128xf32, #tpu.memory_space<vmem>>
      %dma_start3A_120 = arith.constant 0 : i32
      %dma_start3A_121 = tpu.memref_slice %arg7[%scan3A_6, %dma_start3A_114, %dma_start3A_120] : memref<6x10x80xi32, #tpu.memory_space<vmem>> -> memref<1x1x80xi32, #tpu.memory_space<vmem>>
      %dma_start3A_122 = tpu.memref_squeeze %dma_start3A_121 : memref<1x1x80xi32, #tpu.memory_space<vmem>> -> memref<80xi32, #tpu.memory_space<vmem>>
      %dma_start3A_123 = arith.constant 0 : i32
      %dma_start3A_124 = arith.constant 0 : i32
      %dma_start3A_125 = tpu.memref_slice %arg2[%dma_start3A_123, %dma_start3A_124] : memref<312x128xf32, #tpu.memory_space<hbm>> -> memref<312x128xf32, #tpu.memory_space<hbm>>
      tpu.enqueue_indirect_dma source(%dma_start3A_125 : memref<312x128xf32, #tpu.memory_space<hbm>>) target(%dma_start3A_119 : memref<80x128xf32, #tpu.memory_space<vmem>>) offsets(%dma_start3A_122 : memref<80xi32, #tpu.memory_space<vmem>>) semaphore(%arg10 : memref<!tpu.dma_semaphore, #tpu.memory_space<semaphore_mem>>)
      %dma_wait3A = arith.constant 0 : i32
      %dma_wait3A_126 = arith.constant 0 : i32
      %dma_wait3A_127 = arith.constant 0 : i32
      %dma_wait3A_128 = arith.constant 0 : i32
      %dma_wait3A_129 = tpu.memref_slice %arg9[%dma_wait3A_126, %dma_wait3A_127, %dma_wait3A_128] : memref<10x80x128xf32, #tpu.memory_space<vmem>> -> memref<1x80x128xf32, #tpu.memory_space<vmem>>
      %dma_wait3A_130 = tpu.memref_squeeze %dma_wait3A_129 : memref<1x80x128xf32, #tpu.memory_space<vmem>> -> memref<80x128xf32, #tpu.memory_space<vmem>>
      %dma_wait3A_131 = arith.constant 0 : i32
      %dma_wait3A_132 = tpu.memref_slice %arg7[%scan3A_6, %dma_wait3A, %dma_wait3A_131] : memref<6x10x80xi32, #tpu.memory_space<vmem>> -> memref<1x1x80xi32, #tpu.memory_space<vmem>>
      %dma_wait3A_133 = tpu.memref_squeeze %dma_wait3A_132 : memref<1x1x80xi32, #tpu.memory_space<vmem>> -> memref<80xi32, #tpu.memory_space<vmem>>
      %dma_wait3A_134 = arith.constant 0 : i32
      %dma_wait3A_135 = arith.constant 0 : i32
      %dma_wait3A_136 = tpu.memref_slice %arg2[%dma_wait3A_134, %dma_wait3A_135] : memref<312x128xf32, #tpu.memory_space<hbm>> -> memref<312x128xf32, #tpu.memory_space<hbm>>
      tpu.wait_indirect_dma semaphore(%arg10 : memref<!tpu.dma_semaphore, #tpu.memory_space<semaphore_mem>>) src(%dma_wait3A_136 : memref<312x128xf32, #tpu.memory_space<hbm>>) dst(%dma_wait3A_130 : memref<80x128xf32, #tpu.memory_space<vmem>>)
      %dma_wait3A_137 = arith.constant 1 : i32
      %dma_wait3A_138 = arith.constant 1 : i32
      %dma_wait3A_139 = arith.constant 0 : i32
      %dma_wait3A_140 = arith.constant 0 : i32
      %dma_wait3A_141 = tpu.memref_slice %arg9[%dma_wait3A_138, %dma_wait3A_139, %dma_wait3A_140] : memref<10x80x128xf32, #tpu.memory_space<vmem>> -> memref<1x80x128xf32, #tpu.memory_space<vmem>>
      %dma_wait3A_142 = tpu.memref_squeeze %dma_wait3A_141 : memref<1x80x128xf32, #tpu.memory_space<vmem>> -> memref<80x128xf32, #tpu.memory_space<vmem>>
      %dma_wait3A_143 = arith.constant 0 : i32
      %dma_wait3A_144 = tpu.memref_slice %arg7[%scan3A_6, %dma_wait3A_137, %dma_wait3A_143] : memref<6x10x80xi32, #tpu.memory_space<vmem>> -> memref<1x1x80xi32, #tpu.memory_space<vmem>>
      %dma_wait3A_145 = tpu.memref_squeeze %dma_wait3A_144 : memref<1x1x80xi32, #tpu.memory_space<vmem>> -> memref<80xi32, #tpu.memory_space<vmem>>
      %dma_wait3A_146 = arith.constant 0 : i32
      %dma_wait3A_147 = arith.constant 0 : i32
      %dma_wait3A_148 = tpu.memref_slice %arg2[%dma_wait3A_146, %dma_wait3A_147] : memref<312x128xf32, #tpu.memory_space<hbm>> -> memref<312x128xf32, #tpu.memory_space<hbm>>
      tpu.wait_indirect_dma semaphore(%arg10 : memref<!tpu.dma_semaphore, #tpu.memory_space<semaphore_mem>>) src(%dma_wait3A_148 : memref<312x128xf32, #tpu.memory_space<hbm>>) dst(%dma_wait3A_142 : memref<80x128xf32, #tpu.memory_space<vmem>>)
      %dma_wait3A_149 = arith.constant 2 : i32
      %dma_wait3A_150 = arith.constant 2 : i32
      %dma_wait3A_151 = arith.constant 0 : i32
      %dma_wait3A_152 = arith.constant 0 : i32
      %dma_wait3A_153 = tpu.memref_slice %arg9[%dma_wait3A_150, %dma_wait3A_151, %dma_wait3A_152] : memref<10x80x128xf32, #tpu.memory_space<vmem>> -> memref<1x80x128xf32, #tpu.memory_space<vmem>>
      %dma_wait3A_154 = tpu.memref_squeeze %dma_wait3A_153 : memref<1x80x128xf32, #tpu.memory_space<vmem>> -> memref<80x128xf32, #tpu.memory_space<vmem>>
      %dma_wait3A_155 = arith.constant 0 : i32
      %dma_wait3A_156 = tpu.memref_slice %arg7[%scan3A_6, %dma_wait3A_149, %dma_wait3A_155] : memref<6x10x80xi32, #tpu.memory_space<vmem>> -> memref<1x1x80xi32, #tpu.memory_space<vmem>>
      %dma_wait3A_157 = tpu.memref_squeeze %dma_wait3A_156 : memref<1x1x80xi32, #tpu.memory_space<vmem>> -> memref<80xi32, #tpu.memory_space<vmem>>
      %dma_wait3A_158 = arith.constant 0 : i32
      %dma_wait3A_159 = arith.constant 0 : i32
      %dma_wait3A_160 = tpu.memref_slice %arg2[%dma_wait3A_158, %dma_wait3A_159] : memref<312x128xf32, #tpu.memory_space<hbm>> -> memref<312x128xf32, #tpu.memory_space<hbm>>
      tpu.wait_indirect_dma semaphore(%arg10 : memref<!tpu.dma_semaphore, #tpu.memory_space<semaphore_mem>>) src(%dma_wait3A_160 : memref<312x128xf32, #tpu.memory_space<hbm>>) dst(%dma_wait3A_154 : memref<80x128xf32, #tpu.memory_space<vmem>>)
      %dma_wait3A_161 = arith.constant 3 : i32
      %dma_wait3A_162 = arith.constant 3 : i32
      %dma_wait3A_163 = arith.constant 0 : i32
      %dma_wait3A_164 = arith.constant 0 : i32
      %dma_wait3A_165 = tpu.memref_slice %arg9[%dma_wait3A_162, %dma_wait3A_163, %dma_wait3A_164] : memref<10x80x128xf32, #tpu.memory_space<vmem>> -> memref<1x80x128xf32, #tpu.memory_space<vmem>>
      %dma_wait3A_166 = tpu.memref_squeeze %dma_wait3A_165 : memref<1x80x128xf32, #tpu.memory_space<vmem>> -> memref<80x128xf32, #tpu.memory_space<vmem>>
      %dma_wait3A_167 = arith.constant 0 : i32
      %dma_wait3A_168 = tpu.memref_slice %arg7[%scan3A_6, %dma_wait3A_161, %dma_wait3A_167] : memref<6x10x80xi32, #tpu.memory_space<vmem>> -> memref<1x1x80xi32, #tpu.memory_space<vmem>>
      %dma_wait3A_169 = tpu.memref_squeeze %dma_wait3A_168 : memref<1x1x80xi32, #tpu.memory_space<vmem>> -> memref<80xi32, #tpu.memory_space<vmem>>
      %dma_wait3A_170 = arith.constant 0 : i32
      %dma_wait3A_171 = arith.constant 0 : i32
      %dma_wait3A_172 = tpu.memref_slice %arg2[%dma_wait3A_170, %dma_wait3A_171] : memref<312x128xf32, #tpu.memory_space<hbm>> -> memref<312x128xf32, #tpu.memory_space<hbm>>
      tpu.wait_indirect_dma semaphore(%arg10 : memref<!tpu.dma_semaphore, #tpu.memory_space<semaphore_mem>>) src(%dma_wait3A_172 : memref<312x128xf32, #tpu.memory_space<hbm>>) dst(%dma_wait3A_166 : memref<80x128xf32, #tpu.memory_space<vmem>>)
      %dma_wait3A_173 = arith.constant 4 : i32
      %dma_wait3A_174 = arith.constant 4 : i32
      %dma_wait3A_175 = arith.constant 0 : i32
      %dma_wait3A_176 = arith.constant 0 : i32
      %dma_wait3A_177 = tpu.memref_slice %arg9[%dma_wait3A_174, %dma_wait3A_175, %dma_wait3A_176] : memref<10x80x128xf32, #tpu.memory_space<vmem>> -> memref<1x80x128xf32, #tpu.memory_space<vmem>>
      %dma_wait3A_178 = tpu.memref_squeeze %dma_wait3A_177 : memref<1x80x128xf32, #tpu.memory_space<vmem>> -> memref<80x128xf32, #tpu.memory_space<vmem>>
      %dma_wait3A_179 = arith.constant 0 : i32
      %dma_wait3A_180 = tpu.memref_slice %arg7[%scan3A_6, %dma_wait3A_173, %dma_wait3A_179] : memref<6x10x80xi32, #tpu.memory_space<vmem>> -> memref<1x1x80xi32, #tpu.memory_space<vmem>>
      %dma_wait3A_181 = tpu.memref_squeeze %dma_wait3A_180 : memref<1x1x80xi32, #tpu.memory_space<vmem>> -> memref<80xi32, #tpu.memory_space<vmem>>
      %dma_wait3A_182 = arith.constant 0 : i32
      %dma_wait3A_183 = arith.constant 0 : i32
      %dma_wait3A_184 = tpu.memref_slice %arg2[%dma_wait3A_182, %dma_wait3A_183] : memref<312x128xf32, #tpu.memory_space<hbm>> -> memref<312x128xf32, #tpu.memory_space<hbm>>
      tpu.wait_indirect_dma semaphore(%arg10 : memref<!tpu.dma_semaphore, #tpu.memory_space<semaphore_mem>>) src(%dma_wait3A_184 : memref<312x128xf32, #tpu.memory_space<hbm>>) dst(%dma_wait3A_178 : memref<80x128xf32, #tpu.memory_space<vmem>>)
      %dma_wait3A_185 = arith.constant 5 : i32
      %dma_wait3A_186 = arith.constant 5 : i32
      %dma_wait3A_187 = arith.constant 0 : i32
      %dma_wait3A_188 = arith.constant 0 : i32
      %dma_wait3A_189 = tpu.memref_slice %arg9[%dma_wait3A_186, %dma_wait3A_187, %dma_wait3A_188] : memref<10x80x128xf32, #tpu.memory_space<vmem>> -> memref<1x80x128xf32, #tpu.memory_space<vmem>>
      %dma_wait3A_190 = tpu.memref_squeeze %dma_wait3A_189 : memref<1x80x128xf32, #tpu.memory_space<vmem>> -> memref<80x128xf32, #tpu.memory_space<vmem>>
      %dma_wait3A_191 = arith.constant 0 : i32
      %dma_wait3A_192 = tpu.memref_slice %arg7[%scan3A_6, %dma_wait3A_185, %dma_wait3A_191] : memref<6x10x80xi32, #tpu.memory_space<vmem>> -> memref<1x1x80xi32, #tpu.memory_space<vmem>>
      %dma_wait3A_193 = tpu.memref_squeeze %dma_wait3A_192 : memref<1x1x80xi32, #tpu.memory_space<vmem>> -> memref<80xi32, #tpu.memory_space<vmem>>
      %dma_wait3A_194 = arith.constant 0 : i32
      %dma_wait3A_195 = arith.constant 0 : i32
      %dma_wait3A_196 = tpu.memref_slice %arg2[%dma_wait3A_194, %dma_wait3A_195] : memref<312x128xf32, #tpu.memory_space<hbm>> -> memref<312x128xf32, #tpu.memory_space<hbm>>
      tpu.wait_indirect_dma semaphore(%arg10 : memref<!tpu.dma_semaphore, #tpu.memory_space<semaphore_mem>>) src(%dma_wait3A_196 : memref<312x128xf32, #tpu.memory_space<hbm>>) dst(%dma_wait3A_190 : memref<80x128xf32, #tpu.memory_space<vmem>>)
      %dma_wait3A_197 = arith.constant 6 : i32
      %dma_wait3A_198 = arith.constant 6 : i32
      %dma_wait3A_199 = arith.constant 0 : i32
      %dma_wait3A_200 = arith.constant 0 : i32
      %dma_wait3A_201 = tpu.memref_slice %arg9[%dma_wait3A_198, %dma_wait3A_199, %dma_wait3A_200] : memref<10x80x128xf32, #tpu.memory_space<vmem>> -> memref<1x80x128xf32, #tpu.memory_space<vmem>>
      %dma_wait3A_202 = tpu.memref_squeeze %dma_wait3A_201 : memref<1x80x128xf32, #tpu.memory_space<vmem>> -> memref<80x128xf32, #tpu.memory_space<vmem>>
      %dma_wait3A_203 = arith.constant 0 : i32
      %dma_wait3A_204 = tpu.memref_slice %arg7[%scan3A_6, %dma_wait3A_197, %dma_wait3A_203] : memref<6x10x80xi32, #tpu.memory_space<vmem>> -> memref<1x1x80xi32, #tpu.memory_space<vmem>>
      %dma_wait3A_205 = tpu.memref_squeeze %dma_wait3A_204 : memref<1x1x80xi32, #tpu.memory_space<vmem>> -> memref<80xi32, #tpu.memory_space<vmem>>
      %dma_wait3A_206 = arith.constant 0 : i32
      %dma_wait3A_207 = arith.constant 0 : i32
      %dma_wait3A_208 = tpu.memref_slice %arg2[%dma_wait3A_206, %dma_wait3A_207] : memref<312x128xf32, #tpu.memory_space<hbm>> -> memref<312x128xf32, #tpu.memory_space<hbm>>
      tpu.wait_indirect_dma semaphore(%arg10 : memref<!tpu.dma_semaphore, #tpu.memory_space<semaphore_mem>>) src(%dma_wait3A_208 : memref<312x128xf32, #tpu.memory_space<hbm>>) dst(%dma_wait3A_202 : memref<80x128xf32, #tpu.memory_space<vmem>>)
      %dma_wait3A_209 = arith.constant 7 : i32
      %dma_wait3A_210 = arith.constant 7 : i32
      %dma_wait3A_211 = arith.constant 0 : i32
      %dma_wait3A_212 = arith.constant 0 : i32
      %dma_wait3A_213 = tpu.memref_slice %arg9[%dma_wait3A_210, %dma_wait3A_211, %dma_wait3A_212] : memref<10x80x128xf32, #tpu.memory_space<vmem>> -> memref<1x80x128xf32, #tpu.memory_space<vmem>>
      %dma_wait3A_214 = tpu.memref_squeeze %dma_wait3A_213 : memref<1x80x128xf32, #tpu.memory_space<vmem>> -> memref<80x128xf32, #tpu.memory_space<vmem>>
      %dma_wait3A_215 = arith.constant 0 : i32
      %dma_wait3A_216 = tpu.memref_slice %arg7[%scan3A_6, %dma_wait3A_209, %dma_wait3A_215] : memref<6x10x80xi32, #tpu.memory_space<vmem>> -> memref<1x1x80xi32, #tpu.memory_space<vmem>>
      %dma_wait3A_217 = tpu.memref_squeeze %dma_wait3A_216 : memref<1x1x80xi32, #tpu.memory_space<vmem>> -> memref<80xi32, #tpu.memory_space<vmem>>
      %dma_wait3A_218 = arith.constant 0 : i32
      %dma_wait3A_219 = arith.constant 0 : i32
      %dma_wait3A_220 = tpu.memref_slice %arg2[%dma_wait3A_218, %dma_wait3A_219] : memref<312x128xf32, #tpu.memory_space<hbm>> -> memref<312x128xf32, #tpu.memory_space<hbm>>
      tpu.wait_indirect_dma semaphore(%arg10 : memref<!tpu.dma_semaphore, #tpu.memory_space<semaphore_mem>>) src(%dma_wait3A_220 : memref<312x128xf32, #tpu.memory_space<hbm>>) dst(%dma_wait3A_214 : memref<80x128xf32, #tpu.memory_space<vmem>>)
      %dma_wait3A_221 = arith.constant 8 : i32
      %dma_wait3A_222 = arith.constant 8 : i32
      %dma_wait3A_223 = arith.constant 0 : i32
      %dma_wait3A_224 = arith.constant 0 : i32
      %dma_wait3A_225 = tpu.memref_slice %arg9[%dma_wait3A_222, %dma_wait3A_223, %dma_wait3A_224] : memref<10x80x128xf32, #tpu.memory_space<vmem>> -> memref<1x80x128xf32, #tpu.memory_space<vmem>>
      %dma_wait3A_226 = tpu.memref_squeeze %dma_wait3A_225 : memref<1x80x128xf32, #tpu.memory_space<vmem>> -> memref<80x128xf32, #tpu.memory_space<vmem>>
      %dma_wait3A_227 = arith.constant 0 : i32
      %dma_wait3A_228 = tpu.memref_slice %arg7[%scan3A_6, %dma_wait3A_221, %dma_wait3A_227] : memref<6x10x80xi32, #tpu.memory_space<vmem>> -> memref<1x1x80xi32, #tpu.memory_space<vmem>>
      %dma_wait3A_229 = tpu.memref_squeeze %dma_wait3A_228 : memref<1x1x80xi32, #tpu.memory_space<vmem>> -> memref<80xi32, #tpu.memory_space<vmem>>
      %dma_wait3A_230 = arith.constant 0 : i32
      %dma_wait3A_231 = arith.constant 0 : i32
      %dma_wait3A_232 = tpu.memref_slice %arg2[%dma_wait3A_230, %dma_wait3A_231] : memref<312x128xf32, #tpu.memory_space<hbm>> -> memref<312x128xf32, #tpu.memory_space<hbm>>
      tpu.wait_indirect_dma semaphore(%arg10 : memref<!tpu.dma_semaphore, #tpu.memory_space<semaphore_mem>>) src(%dma_wait3A_232 : memref<312x128xf32, #tpu.memory_space<hbm>>) dst(%dma_wait3A_226 : memref<80x128xf32, #tpu.memory_space<vmem>>)
      %dma_wait3A_233 = arith.constant 9 : i32
      %dma_wait3A_234 = arith.constant 9 : i32
      %dma_wait3A_235 = arith.constant 0 : i32
      %dma_wait3A_236 = arith.constant 0 : i32
      %dma_wait3A_237 = tpu.memref_slice %arg9[%dma_wait3A_234, %dma_wait3A_235, %dma_wait3A_236] : memref<10x80x128xf32, #tpu.memory_space<vmem>> -> memref<1x80x128xf32, #tpu.memory_space<vmem>>
      %dma_wait3A_238 = tpu.memref_squeeze %dma_wait3A_237 : memref<1x80x128xf32, #tpu.memory_space<vmem>> -> memref<80x128xf32, #tpu.memory_space<vmem>>
      %dma_wait3A_239 = arith.constant 0 : i32
      %dma_wait3A_240 = tpu.memref_slice %arg7[%scan3A_6, %dma_wait3A_233, %dma_wait3A_239] : memref<6x10x80xi32, #tpu.memory_space<vmem>> -> memref<1x1x80xi32, #tpu.memory_space<vmem>>
      %dma_wait3A_241 = tpu.memref_squeeze %dma_wait3A_240 : memref<1x1x80xi32, #tpu.memory_space<vmem>> -> memref<80xi32, #tpu.memory_space<vmem>>
      %dma_wait3A_242 = arith.constant 0 : i32
      %dma_wait3A_243 = arith.constant 0 : i32
      %dma_wait3A_244 = tpu.memref_slice %arg2[%dma_wait3A_242, %dma_wait3A_243] : memref<312x128xf32, #tpu.memory_space<hbm>> -> memref<312x128xf32, #tpu.memory_space<hbm>>
      tpu.wait_indirect_dma semaphore(%arg10 : memref<!tpu.dma_semaphore, #tpu.memory_space<semaphore_mem>>) src(%dma_wait3A_244 : memref<312x128xf32, #tpu.memory_space<hbm>>) dst(%dma_wait3A_238 : memref<80x128xf32, #tpu.memory_space<vmem>>)
      %dma_start3A_245 = arith.constant 0 : i32
      %dma_start3A_246 = arith.constant 0 : i32
      %dma_start3A_247 = arith.constant 0 : i32
      %dma_start3A_248 = arith.constant 0 : i32
      %dma_start3A_249 = tpu.memref_slice %arg9[%dma_start3A_245, %dma_start3A_247, %dma_start3A_248] : memref<10x80x128xf32, #tpu.memory_space<vmem>> -> memref<1x80x128xf32, #tpu.memory_space<vmem>>
      %dma_start3A_250 = tpu.memref_squeeze %dma_start3A_249 : memref<1x80x128xf32, #tpu.memory_space<vmem>> -> memref<80x128xf32, #tpu.memory_space<vmem>>
      %dma_start3A_251 = arith.constant 0 : i32
      %dma_start3A_252 = tpu.memref_slice %arg8[%scan3A_6, %dma_start3A_246, %dma_start3A_251] : memref<6x10x80xi32, #tpu.memory_space<vmem>> -> memref<1x1x80xi32, #tpu.memory_space<vmem>>
      %dma_start3A_253 = tpu.memref_squeeze %dma_start3A_252 : memref<1x1x80xi32, #tpu.memory_space<vmem>> -> memref<80xi32, #tpu.memory_space<vmem>>
      %dma_start3A_254 = arith.constant 0 : i32
      %dma_start3A_255 = arith.constant 0 : i32
      %dma_start3A_256 = tpu.memref_slice %arg5[%dma_start3A_254, %dma_start3A_255] : memref<409600x128xf32, #tpu.memory_space<hbm>> -> memref<409600x128xf32, #tpu.memory_space<hbm>>
      tpu.enqueue_indirect_dma source(%dma_start3A_250 : memref<80x128xf32, #tpu.memory_space<vmem>>) target(%dma_start3A_256 : memref<409600x128xf32, #tpu.memory_space<hbm>>) offsets(%dma_start3A_253 : memref<80xi32, #tpu.memory_space<vmem>>) semaphore(%arg10 : memref<!tpu.dma_semaphore, #tpu.memory_space<semaphore_mem>>)
      %dma_start3A_257 = arith.constant 1 : i32
      %dma_start3A_258 = arith.constant 1 : i32
      %dma_start3A_259 = arith.constant 0 : i32
      %dma_start3A_260 = arith.constant 0 : i32
      %dma_start3A_261 = tpu.memref_slice %arg9[%dma_start3A_257, %dma_start3A_259, %dma_start3A_260] : memref<10x80x128xf32, #tpu.memory_space<vmem>> -> memref<1x80x128xf32, #tpu.memory_space<vmem>>
      %dma_start3A_262 = tpu.memref_squeeze %dma_start3A_261 : memref<1x80x128xf32, #tpu.memory_space<vmem>> -> memref<80x128xf32, #tpu.memory_space<vmem>>
      %dma_start3A_263 = arith.constant 0 : i32
      %dma_start3A_264 = tpu.memref_slice %arg8[%scan3A_6, %dma_start3A_258, %dma_start3A_263] : memref<6x10x80xi32, #tpu.memory_space<vmem>> -> memref<1x1x80xi32, #tpu.memory_space<vmem>>
      %dma_start3A_265 = tpu.memref_squeeze %dma_start3A_264 : memref<1x1x80xi32, #tpu.memory_space<vmem>> -> memref<80xi32, #tpu.memory_space<vmem>>
      %dma_start3A_266 = arith.constant 0 : i32
      %dma_start3A_267 = arith.constant 0 : i32
      %dma_start3A_268 = tpu.memref_slice %arg5[%dma_start3A_266, %dma_start3A_267] : memref<409600x128xf32, #tpu.memory_space<hbm>> -> memref<409600x128xf32, #tpu.memory_space<hbm>>
      tpu.enqueue_indirect_dma source(%dma_start3A_262 : memref<80x128xf32, #tpu.memory_space<vmem>>) target(%dma_start3A_268 : memref<409600x128xf32, #tpu.memory_space<hbm>>) offsets(%dma_start3A_265 : memref<80xi32, #tpu.memory_space<vmem>>) semaphore(%arg10 : memref<!tpu.dma_semaphore, #tpu.memory_space<semaphore_mem>>)
      %dma_start3A_269 = arith.constant 2 : i32
      %dma_start3A_270 = arith.constant 2 : i32
      %dma_start3A_271 = arith.constant 0 : i32
      %dma_start3A_272 = arith.constant 0 : i32
      %dma_start3A_273 = tpu.memref_slice %arg9[%dma_start3A_269, %dma_start3A_271, %dma_start3A_272] : memref<10x80x128xf32, #tpu.memory_space<vmem>> -> memref<1x80x128xf32, #tpu.memory_space<vmem>>
      %dma_start3A_274 = tpu.memref_squeeze %dma_start3A_273 : memref<1x80x128xf32, #tpu.memory_space<vmem>> -> memref<80x128xf32, #tpu.memory_space<vmem>>
      %dma_start3A_275 = arith.constant 0 : i32
      %dma_start3A_276 = tpu.memref_slice %arg8[%scan3A_6, %dma_start3A_270, %dma_start3A_275] : memref<6x10x80xi32, #tpu.memory_space<vmem>> -> memref<1x1x80xi32, #tpu.memory_space<vmem>>
      %dma_start3A_277 = tpu.memref_squeeze %dma_start3A_276 : memref<1x1x80xi32, #tpu.memory_space<vmem>> -> memref<80xi32, #tpu.memory_space<vmem>>
      %dma_start3A_278 = arith.constant 0 : i32
      %dma_start3A_279 = arith.constant 0 : i32
      %dma_start3A_280 = tpu.memref_slice %arg5[%dma_start3A_278, %dma_start3A_279] : memref<409600x128xf32, #tpu.memory_space<hbm>> -> memref<409600x128xf32, #tpu.memory_space<hbm>>
      tpu.enqueue_indirect_dma source(%dma_start3A_274 : memref<80x128xf32, #tpu.memory_space<vmem>>) target(%dma_start3A_280 : memref<409600x128xf32, #tpu.memory_space<hbm>>) offsets(%dma_start3A_277 : memref<80xi32, #tpu.memory_space<vmem>>) semaphore(%arg10 : memref<!tpu.dma_semaphore, #tpu.memory_space<semaphore_mem>>)
      %dma_start3A_281 = arith.constant 3 : i32
      %dma_start3A_282 = arith.constant 3 : i32
      %dma_start3A_283 = arith.constant 0 : i32
      %dma_start3A_284 = arith.constant 0 : i32
      %dma_start3A_285 = tpu.memref_slice %arg9[%dma_start3A_281, %dma_start3A_283, %dma_start3A_284] : memref<10x80x128xf32, #tpu.memory_space<vmem>> -> memref<1x80x128xf32, #tpu.memory_space<vmem>>
      %dma_start3A_286 = tpu.memref_squeeze %dma_start3A_285 : memref<1x80x128xf32, #tpu.memory_space<vmem>> -> memref<80x128xf32, #tpu.memory_space<vmem>>
      %dma_start3A_287 = arith.constant 0 : i32
      %dma_start3A_288 = tpu.memref_slice %arg8[%scan3A_6, %dma_start3A_282, %dma_start3A_287] : memref<6x10x80xi32, #tpu.memory_space<vmem>> -> memref<1x1x80xi32, #tpu.memory_space<vmem>>
      %dma_start3A_289 = tpu.memref_squeeze %dma_start3A_288 : memref<1x1x80xi32, #tpu.memory_space<vmem>> -> memref<80xi32, #tpu.memory_space<vmem>>
      %dma_start3A_290 = arith.constant 0 : i32
      %dma_start3A_291 = arith.constant 0 : i32
      %dma_start3A_292 = tpu.memref_slice %arg5[%dma_start3A_290, %dma_start3A_291] : memref<409600x128xf32, #tpu.memory_space<hbm>> -> memref<409600x128xf32, #tpu.memory_space<hbm>>
      tpu.enqueue_indirect_dma source(%dma_start3A_286 : memref<80x128xf32, #tpu.memory_space<vmem>>) target(%dma_start3A_292 : memref<409600x128xf32, #tpu.memory_space<hbm>>) offsets(%dma_start3A_289 : memref<80xi32, #tpu.memory_space<vmem>>) semaphore(%arg10 : memref<!tpu.dma_semaphore, #tpu.memory_space<semaphore_mem>>)
      %dma_start3A_293 = arith.constant 4 : i32
      %dma_start3A_294 = arith.constant 4 : i32
      %dma_start3A_295 = arith.constant 0 : i32
      %dma_start3A_296 = arith.constant 0 : i32
      %dma_start3A_297 = tpu.memref_slice %arg9[%dma_start3A_293, %dma_start3A_295, %dma_start3A_296] : memref<10x80x128xf32, #tpu.memory_space<vmem>> -> memref<1x80x128xf32, #tpu.memory_space<vmem>>
      %dma_start3A_298 = tpu.memref_squeeze %dma_start3A_297 : memref<1x80x128xf32, #tpu.memory_space<vmem>> -> memref<80x128xf32, #tpu.memory_space<vmem>>
      %dma_start3A_299 = arith.constant 0 : i32
      %dma_start3A_300 = tpu.memref_slice %arg8[%scan3A_6, %dma_start3A_294, %dma_start3A_299] : memref<6x10x80xi32, #tpu.memory_space<vmem>> -> memref<1x1x80xi32, #tpu.memory_space<vmem>>
      %dma_start3A_301 = tpu.memref_squeeze %dma_start3A_300 : memref<1x1x80xi32, #tpu.memory_space<vmem>> -> memref<80xi32, #tpu.memory_space<vmem>>
      %dma_start3A_302 = arith.constant 0 : i32
      %dma_start3A_303 = arith.constant 0 : i32
      %dma_start3A_304 = tpu.memref_slice %arg5[%dma_start3A_302, %dma_start3A_303] : memref<409600x128xf32, #tpu.memory_space<hbm>> -> memref<409600x128xf32, #tpu.memory_space<hbm>>
      tpu.enqueue_indirect_dma source(%dma_start3A_298 : memref<80x128xf32, #tpu.memory_space<vmem>>) target(%dma_start3A_304 : memref<409600x128xf32, #tpu.memory_space<hbm>>) offsets(%dma_start3A_301 : memref<80xi32, #tpu.memory_space<vmem>>) semaphore(%arg10 : memref<!tpu.dma_semaphore, #tpu.memory_space<semaphore_mem>>)
      %dma_start3A_305 = arith.constant 5 : i32
      %dma_start3A_306 = arith.constant 5 : i32
      %dma_start3A_307 = arith.constant 0 : i32
      %dma_start3A_308 = arith.constant 0 : i32
      %dma_start3A_309 = tpu.memref_slice %arg9[%dma_start3A_305, %dma_start3A_307, %dma_start3A_308] : memref<10x80x128xf32, #tpu.memory_space<vmem>> -> memref<1x80x128xf32, #tpu.memory_space<vmem>>
      %dma_start3A_310 = tpu.memref_squeeze %dma_start3A_309 : memref<1x80x128xf32, #tpu.memory_space<vmem>> -> memref<80x128xf32, #tpu.memory_space<vmem>>
      %dma_start3A_311 = arith.constant 0 : i32
      %dma_start3A_312 = tpu.memref_slice %arg8[%scan3A_6, %dma_start3A_306, %dma_start3A_311] : memref<6x10x80xi32, #tpu.memory_space<vmem>> -> memref<1x1x80xi32, #tpu.memory_space<vmem>>
      %dma_start3A_313 = tpu.memref_squeeze %dma_start3A_312 : memref<1x1x80xi32, #tpu.memory_space<vmem>> -> memref<80xi32, #tpu.memory_space<vmem>>
      %dma_start3A_314 = arith.constant 0 : i32
      %dma_start3A_315 = arith.constant 0 : i32
      %dma_start3A_316 = tpu.memref_slice %arg5[%dma_start3A_314, %dma_start3A_315] : memref<409600x128xf32, #tpu.memory_space<hbm>> -> memref<409600x128xf32, #tpu.memory_space<hbm>>
      tpu.enqueue_indirect_dma source(%dma_start3A_310 : memref<80x128xf32, #tpu.memory_space<vmem>>) target(%dma_start3A_316 : memref<409600x128xf32, #tpu.memory_space<hbm>>) offsets(%dma_start3A_313 : memref<80xi32, #tpu.memory_space<vmem>>) semaphore(%arg10 : memref<!tpu.dma_semaphore, #tpu.memory_space<semaphore_mem>>)
      %dma_start3A_317 = arith.constant 6 : i32
      %dma_start3A_318 = arith.constant 6 : i32
      %dma_start3A_319 = arith.constant 0 : i32
      %dma_start3A_320 = arith.constant 0 : i32
      %dma_start3A_321 = tpu.memref_slice %arg9[%dma_start3A_317, %dma_start3A_319, %dma_start3A_320] : memref<10x80x128xf32, #tpu.memory_space<vmem>> -> memref<1x80x128xf32, #tpu.memory_space<vmem>>
      %dma_start3A_322 = tpu.memref_squeeze %dma_start3A_321 : memref<1x80x128xf32, #tpu.memory_space<vmem>> -> memref<80x128xf32, #tpu.memory_space<vmem>>
      %dma_start3A_323 = arith.constant 0 : i32
      %dma_start3A_324 = tpu.memref_slice %arg8[%scan3A_6, %dma_start3A_318, %dma_start3A_323] : memref<6x10x80xi32, #tpu.memory_space<vmem>> -> memref<1x1x80xi32, #tpu.memory_space<vmem>>
      %dma_start3A_325 = tpu.memref_squeeze %dma_start3A_324 : memref<1x1x80xi32, #tpu.memory_space<vmem>> -> memref<80xi32, #tpu.memory_space<vmem>>
      %dma_start3A_326 = arith.constant 0 : i32
      %dma_start3A_327 = arith.constant 0 : i32
      %dma_start3A_328 = tpu.memref_slice %arg5[%dma_start3A_326, %dma_start3A_327] : memref<409600x128xf32, #tpu.memory_space<hbm>> -> memref<409600x128xf32, #tpu.memory_space<hbm>>
      tpu.enqueue_indirect_dma source(%dma_start3A_322 : memref<80x128xf32, #tpu.memory_space<vmem>>) target(%dma_start3A_328 : memref<409600x128xf32, #tpu.memory_space<hbm>>) offsets(%dma_start3A_325 : memref<80xi32, #tpu.memory_space<vmem>>) semaphore(%arg10 : memref<!tpu.dma_semaphore, #tpu.memory_space<semaphore_mem>>)
      %dma_start3A_329 = arith.constant 7 : i32
      %dma_start3A_330 = arith.constant 7 : i32
      %dma_start3A_331 = arith.constant 0 : i32
      %dma_start3A_332 = arith.constant 0 : i32
      %dma_start3A_333 = tpu.memref_slice %arg9[%dma_start3A_329, %dma_start3A_331, %dma_start3A_332] : memref<10x80x128xf32, #tpu.memory_space<vmem>> -> memref<1x80x128xf32, #tpu.memory_space<vmem>>
      %dma_start3A_334 = tpu.memref_squeeze %dma_start3A_333 : memref<1x80x128xf32, #tpu.memory_space<vmem>> -> memref<80x128xf32, #tpu.memory_space<vmem>>
      %dma_start3A_335 = arith.constant 0 : i32
      %dma_start3A_336 = tpu.memref_slice %arg8[%scan3A_6, %dma_start3A_330, %dma_start3A_335] : memref<6x10x80xi32, #tpu.memory_space<vmem>> -> memref<1x1x80xi32, #tpu.memory_space<vmem>>
      %dma_start3A_337 = tpu.memref_squeeze %dma_start3A_336 : memref<1x1x80xi32, #tpu.memory_space<vmem>> -> memref<80xi32, #tpu.memory_space<vmem>>
      %dma_start3A_338 = arith.constant 0 : i32
      %dma_start3A_339 = arith.constant 0 : i32
      %dma_start3A_340 = tpu.memref_slice %arg5[%dma_start3A_338, %dma_start3A_339] : memref<409600x128xf32, #tpu.memory_space<hbm>> -> memref<409600x128xf32, #tpu.memory_space<hbm>>
      tpu.enqueue_indirect_dma source(%dma_start3A_334 : memref<80x128xf32, #tpu.memory_space<vmem>>) target(%dma_start3A_340 : memref<409600x128xf32, #tpu.memory_space<hbm>>) offsets(%dma_start3A_337 : memref<80xi32, #tpu.memory_space<vmem>>) semaphore(%arg10 : memref<!tpu.dma_semaphore, #tpu.memory_space<semaphore_mem>>)
      %dma_start3A_341 = arith.constant 8 : i32
      %dma_start3A_342 = arith.constant 8 : i32
      %dma_start3A_343 = arith.constant 0 : i32
      %dma_start3A_344 = arith.constant 0 : i32
      %dma_start3A_345 = tpu.memref_slice %arg9[%dma_start3A_341, %dma_start3A_343, %dma_start3A_344] : memref<10x80x128xf32, #tpu.memory_space<vmem>> -> memref<1x80x128xf32, #tpu.memory_space<vmem>>
      %dma_start3A_346 = tpu.memref_squeeze %dma_start3A_345 : memref<1x80x128xf32, #tpu.memory_space<vmem>> -> memref<80x128xf32, #tpu.memory_space<vmem>>
      %dma_start3A_347 = arith.constant 0 : i32
      %dma_start3A_348 = tpu.memref_slice %arg8[%scan3A_6, %dma_start3A_342, %dma_start3A_347] : memref<6x10x80xi32, #tpu.memory_space<vmem>> -> memref<1x1x80xi32, #tpu.memory_space<vmem>>
      %dma_start3A_349 = tpu.memref_squeeze %dma_start3A_348 : memref<1x1x80xi32, #tpu.memory_space<vmem>> -> memref<80xi32, #tpu.memory_space<vmem>>
      %dma_start3A_350 = arith.constant 0 : i32
      %dma_start3A_351 = arith.constant 0 : i32
      %dma_start3A_352 = tpu.memref_slice %arg5[%dma_start3A_350, %dma_start3A_351] : memref<409600x128xf32, #tpu.memory_space<hbm>> -> memref<409600x128xf32, #tpu.memory_space<hbm>>
      tpu.enqueue_indirect_dma source(%dma_start3A_346 : memref<80x128xf32, #tpu.memory_space<vmem>>) target(%dma_start3A_352 : memref<409600x128xf32, #tpu.memory_space<hbm>>) offsets(%dma_start3A_349 : memref<80xi32, #tpu.memory_space<vmem>>) semaphore(%arg10 : memref<!tpu.dma_semaphore, #tpu.memory_space<semaphore_mem>>)
      %dma_start3A_353 = arith.constant 9 : i32
      %dma_start3A_354 = arith.constant 9 : i32
      %dma_start3A_355 = arith.constant 0 : i32
      %dma_start3A_356 = arith.constant 0 : i32
      %dma_start3A_357 = tpu.memref_slice %arg9[%dma_start3A_353, %dma_start3A_355, %dma_start3A_356] : memref<10x80x128xf32, #tpu.memory_space<vmem>> -> memref<1x80x128xf32, #tpu.memory_space<vmem>>
      %dma_start3A_358 = tpu.memref_squeeze %dma_start3A_357 : memref<1x80x128xf32, #tpu.memory_space<vmem>> -> memref<80x128xf32, #tpu.memory_space<vmem>>
      %dma_start3A_359 = arith.constant 0 : i32
      %dma_start3A_360 = tpu.memref_slice %arg8[%scan3A_6, %dma_start3A_354, %dma_start3A_359] : memref<6x10x80xi32, #tpu.memory_space<vmem>> -> memref<1x1x80xi32, #tpu.memory_space<vmem>>
      %dma_start3A_361 = tpu.memref_squeeze %dma_start3A_360 : memref<1x1x80xi32, #tpu.memory_space<vmem>> -> memref<80xi32, #tpu.memory_space<vmem>>
      %dma_start3A_362 = arith.constant 0 : i32
      %dma_start3A_363 = arith.constant 0 : i32
      %dma_start3A_364 = tpu.memref_slice %arg5[%dma_start3A_362, %dma_start3A_363] : memref<409600x128xf32, #tpu.memory_space<hbm>> -> memref<409600x128xf32, #tpu.memory_space<hbm>>
      tpu.enqueue_indirect_dma source(%dma_start3A_358 : memref<80x128xf32, #tpu.memory_space<vmem>>) target(%dma_start3A_364 : memref<409600x128xf32, #tpu.memory_space<hbm>>) offsets(%dma_start3A_361 : memref<80xi32, #tpu.memory_space<vmem>>) semaphore(%arg10 : memref<!tpu.dma_semaphore, #tpu.memory_space<semaphore_mem>>)
      %dma_wait3A_365 = arith.constant 0 : i32
      %dma_wait3A_366 = arith.constant 0 : i32
      %dma_wait3A_367 = arith.constant 0 : i32
      %dma_wait3A_368 = arith.constant 0 : i32
      %dma_wait3A_369 = tpu.memref_slice %arg9[%dma_wait3A_365, %dma_wait3A_367, %dma_wait3A_368] : memref<10x80x128xf32, #tpu.memory_space<vmem>> -> memref<1x80x128xf32, #tpu.memory_space<vmem>>
      %dma_wait3A_370 = tpu.memref_squeeze %dma_wait3A_369 : memref<1x80x128xf32, #tpu.memory_space<vmem>> -> memref<80x128xf32, #tpu.memory_space<vmem>>
      %dma_wait3A_371 = arith.constant 0 : i32
      %dma_wait3A_372 = tpu.memref_slice %arg8[%scan3A_6, %dma_wait3A_366, %dma_wait3A_371] : memref<6x10x80xi32, #tpu.memory_space<vmem>> -> memref<1x1x80xi32, #tpu.memory_space<vmem>>
      %dma_wait3A_373 = tpu.memref_squeeze %dma_wait3A_372 : memref<1x1x80xi32, #tpu.memory_space<vmem>> -> memref<80xi32, #tpu.memory_space<vmem>>
      %dma_wait3A_374 = arith.constant 0 : i32
      %dma_wait3A_375 = arith.constant 0 : i32
      %dma_wait3A_376 = tpu.memref_slice %arg5[%dma_wait3A_374, %dma_wait3A_375] : memref<409600x128xf32, #tpu.memory_space<hbm>> -> memref<409600x128xf32, #tpu.memory_space<hbm>>
      tpu.wait_indirect_dma semaphore(%arg10 : memref<!tpu.dma_semaphore, #tpu.memory_space<semaphore_mem>>) src(%dma_wait3A_370 : memref<80x128xf32, #tpu.memory_space<vmem>>) dst(%dma_wait3A_376 : memref<409600x128xf32, #tpu.memory_space<hbm>>)
      %dma_wait3A_377 = arith.constant 1 : i32
      %dma_wait3A_378 = arith.constant 1 : i32
      %dma_wait3A_379 = arith.constant 0 : i32
      %dma_wait3A_380 = arith.constant 0 : i32
      %dma_wait3A_381 = tpu.memref_slice %arg9[%dma_wait3A_377, %dma_wait3A_379, %dma_wait3A_380] : memref<10x80x128xf32, #tpu.memory_space<vmem>> -> memref<1x80x128xf32, #tpu.memory_space<vmem>>
      %dma_wait3A_382 = tpu.memref_squeeze %dma_wait3A_381 : memref<1x80x128xf32, #tpu.memory_space<vmem>> -> memref<80x128xf32, #tpu.memory_space<vmem>>
      %dma_wait3A_383 = arith.constant 0 : i32
      %dma_wait3A_384 = tpu.memref_slice %arg8[%scan3A_6, %dma_wait3A_378, %dma_wait3A_383] : memref<6x10x80xi32, #tpu.memory_space<vmem>> -> memref<1x1x80xi32, #tpu.memory_space<vmem>>
      %dma_wait3A_385 = tpu.memref_squeeze %dma_wait3A_384 : memref<1x1x80xi32, #tpu.memory_space<vmem>> -> memref<80xi32, #tpu.memory_space<vmem>>
      %dma_wait3A_386 = arith.constant 0 : i32
      %dma_wait3A_387 = arith.constant 0 : i32
      %dma_wait3A_388 = tpu.memref_slice %arg5[%dma_wait3A_386, %dma_wait3A_387] : memref<409600x128xf32, #tpu.memory_space<hbm>> -> memref<409600x128xf32, #tpu.memory_space<hbm>>
      tpu.wait_indirect_dma semaphore(%arg10 : memref<!tpu.dma_semaphore, #tpu.memory_space<semaphore_mem>>) src(%dma_wait3A_382 : memref<80x128xf32, #tpu.memory_space<vmem>>) dst(%dma_wait3A_388 : memref<409600x128xf32, #tpu.memory_space<hbm>>)
      %dma_wait3A_389 = arith.constant 2 : i32
      %dma_wait3A_390 = arith.constant 2 : i32
      %dma_wait3A_391 = arith.constant 0 : i32
      %dma_wait3A_392 = arith.constant 0 : i32
      %dma_wait3A_393 = tpu.memref_slice %arg9[%dma_wait3A_389, %dma_wait3A_391, %dma_wait3A_392] : memref<10x80x128xf32, #tpu.memory_space<vmem>> -> memref<1x80x128xf32, #tpu.memory_space<vmem>>
      %dma_wait3A_394 = tpu.memref_squeeze %dma_wait3A_393 : memref<1x80x128xf32, #tpu.memory_space<vmem>> -> memref<80x128xf32, #tpu.memory_space<vmem>>
      %dma_wait3A_395 = arith.constant 0 : i32
      %dma_wait3A_396 = tpu.memref_slice %arg8[%scan3A_6, %dma_wait3A_390, %dma_wait3A_395] : memref<6x10x80xi32, #tpu.memory_space<vmem>> -> memref<1x1x80xi32, #tpu.memory_space<vmem>>
      %dma_wait3A_397 = tpu.memref_squeeze %dma_wait3A_396 : memref<1x1x80xi32, #tpu.memory_space<vmem>> -> memref<80xi32, #tpu.memory_space<vmem>>
      %dma_wait3A_398 = arith.constant 0 : i32
      %dma_wait3A_399 = arith.constant 0 : i32
      %dma_wait3A_400 = tpu.memref_slice %arg5[%dma_wait3A_398, %dma_wait3A_399] : memref<409600x128xf32, #tpu.memory_space<hbm>> -> memref<409600x128xf32, #tpu.memory_space<hbm>>
      tpu.wait_indirect_dma semaphore(%arg10 : memref<!tpu.dma_semaphore, #tpu.memory_space<semaphore_mem>>) src(%dma_wait3A_394 : memref<80x128xf32, #tpu.memory_space<vmem>>) dst(%dma_wait3A_400 : memref<409600x128xf32, #tpu.memory_space<hbm>>)
      %dma_wait3A_401 = arith.constant 3 : i32
      %dma_wait3A_402 = arith.constant 3 : i32
      %dma_wait3A_403 = arith.constant 0 : i32
      %dma_wait3A_404 = arith.constant 0 : i32
      %dma_wait3A_405 = tpu.memref_slice %arg9[%dma_wait3A_401, %dma_wait3A_403, %dma_wait3A_404] : memref<10x80x128xf32, #tpu.memory_space<vmem>> -> memref<1x80x128xf32, #tpu.memory_space<vmem>>
      %dma_wait3A_406 = tpu.memref_squeeze %dma_wait3A_405 : memref<1x80x128xf32, #tpu.memory_space<vmem>> -> memref<80x128xf32, #tpu.memory_space<vmem>>
      %dma_wait3A_407 = arith.constant 0 : i32
      %dma_wait3A_408 = tpu.memref_slice %arg8[%scan3A_6, %dma_wait3A_402, %dma_wait3A_407] : memref<6x10x80xi32, #tpu.memory_space<vmem>> -> memref<1x1x80xi32, #tpu.memory_space<vmem>>
      %dma_wait3A_409 = tpu.memref_squeeze %dma_wait3A_408 : memref<1x1x80xi32, #tpu.memory_space<vmem>> -> memref<80xi32, #tpu.memory_space<vmem>>
      %dma_wait3A_410 = arith.constant 0 : i32
      %dma_wait3A_411 = arith.constant 0 : i32
      %dma_wait3A_412 = tpu.memref_slice %arg5[%dma_wait3A_410, %dma_wait3A_411] : memref<409600x128xf32, #tpu.memory_space<hbm>> -> memref<409600x128xf32, #tpu.memory_space<hbm>>
      tpu.wait_indirect_dma semaphore(%arg10 : memref<!tpu.dma_semaphore, #tpu.memory_space<semaphore_mem>>) src(%dma_wait3A_406 : memref<80x128xf32, #tpu.memory_space<vmem>>) dst(%dma_wait3A_412 : memref<409600x128xf32, #tpu.memory_space<hbm>>)
      %dma_wait3A_413 = arith.constant 4 : i32
      %dma_wait3A_414 = arith.constant 4 : i32
      %dma_wait3A_415 = arith.constant 0 : i32
      %dma_wait3A_416 = arith.constant 0 : i32
      %dma_wait3A_417 = tpu.memref_slice %arg9[%dma_wait3A_413, %dma_wait3A_415, %dma_wait3A_416] : memref<10x80x128xf32, #tpu.memory_space<vmem>> -> memref<1x80x128xf32, #tpu.memory_space<vmem>>
      %dma_wait3A_418 = tpu.memref_squeeze %dma_wait3A_417 : memref<1x80x128xf32, #tpu.memory_space<vmem>> -> memref<80x128xf32, #tpu.memory_space<vmem>>
      %dma_wait3A_419 = arith.constant 0 : i32
      %dma_wait3A_420 = tpu.memref_slice %arg8[%scan3A_6, %dma_wait3A_414, %dma_wait3A_419] : memref<6x10x80xi32, #tpu.memory_space<vmem>> -> memref<1x1x80xi32, #tpu.memory_space<vmem>>
      %dma_wait3A_421 = tpu.memref_squeeze %dma_wait3A_420 : memref<1x1x80xi32, #tpu.memory_space<vmem>> -> memref<80xi32, #tpu.memory_space<vmem>>
      %dma_wait3A_422 = arith.constant 0 : i32
      %dma_wait3A_423 = arith.constant 0 : i32
      %dma_wait3A_424 = tpu.memref_slice %arg5[%dma_wait3A_422, %dma_wait3A_423] : memref<409600x128xf32, #tpu.memory_space<hbm>> -> memref<409600x128xf32, #tpu.memory_space<hbm>>
      tpu.wait_indirect_dma semaphore(%arg10 : memref<!tpu.dma_semaphore, #tpu.memory_space<semaphore_mem>>) src(%dma_wait3A_418 : memref<80x128xf32, #tpu.memory_space<vmem>>) dst(%dma_wait3A_424 : memref<409600x128xf32, #tpu.memory_space<hbm>>)
      %dma_wait3A_425 = arith.constant 5 : i32
      %dma_wait3A_426 = arith.constant 5 : i32
      %dma_wait3A_427 = arith.constant 0 : i32
      %dma_wait3A_428 = arith.constant 0 : i32
      %dma_wait3A_429 = tpu.memref_slice %arg9[%dma_wait3A_425, %dma_wait3A_427, %dma_wait3A_428] : memref<10x80x128xf32, #tpu.memory_space<vmem>> -> memref<1x80x128xf32, #tpu.memory_space<vmem>>
      %dma_wait3A_430 = tpu.memref_squeeze %dma_wait3A_429 : memref<1x80x128xf32, #tpu.memory_space<vmem>> -> memref<80x128xf32, #tpu.memory_space<vmem>>
      %dma_wait3A_431 = arith.constant 0 : i32
      %dma_wait3A_432 = tpu.memref_slice %arg8[%scan3A_6, %dma_wait3A_426, %dma_wait3A_431] : memref<6x10x80xi32, #tpu.memory_space<vmem>> -> memref<1x1x80xi32, #tpu.memory_space<vmem>>
      %dma_wait3A_433 = tpu.memref_squeeze %dma_wait3A_432 : memref<1x1x80xi32, #tpu.memory_space<vmem>> -> memref<80xi32, #tpu.memory_space<vmem>>
      %dma_wait3A_434 = arith.constant 0 : i32
      %dma_wait3A_435 = arith.constant 0 : i32
      %dma_wait3A_436 = tpu.memref_slice %arg5[%dma_wait3A_434, %dma_wait3A_435] : memref<409600x128xf32, #tpu.memory_space<hbm>> -> memref<409600x128xf32, #tpu.memory_space<hbm>>
      tpu.wait_indirect_dma semaphore(%arg10 : memref<!tpu.dma_semaphore, #tpu.memory_space<semaphore_mem>>) src(%dma_wait3A_430 : memref<80x128xf32, #tpu.memory_space<vmem>>) dst(%dma_wait3A_436 : memref<409600x128xf32, #tpu.memory_space<hbm>>)
      %dma_wait3A_437 = arith.constant 6 : i32
      %dma_wait3A_438 = arith.constant 6 : i32
      %dma_wait3A_439 = arith.constant 0 : i32
      %dma_wait3A_440 = arith.constant 0 : i32
      %dma_wait3A_441 = tpu.memref_slice %arg9[%dma_wait3A_437, %dma_wait3A_439, %dma_wait3A_440] : memref<10x80x128xf32, #tpu.memory_space<vmem>> -> memref<1x80x128xf32, #tpu.memory_space<vmem>>
      %dma_wait3A_442 = tpu.memref_squeeze %dma_wait3A_441 : memref<1x80x128xf32, #tpu.memory_space<vmem>> -> memref<80x128xf32, #tpu.memory_space<vmem>>
      %dma_wait3A_443 = arith.constant 0 : i32
      %dma_wait3A_444 = tpu.memref_slice %arg8[%scan3A_6, %dma_wait3A_438, %dma_wait3A_443] : memref<6x10x80xi32, #tpu.memory_space<vmem>> -> memref<1x1x80xi32, #tpu.memory_space<vmem>>
      %dma_wait3A_445 = tpu.memref_squeeze %dma_wait3A_444 : memref<1x1x80xi32, #tpu.memory_space<vmem>> -> memref<80xi32, #tpu.memory_space<vmem>>
      %dma_wait3A_446 = arith.constant 0 : i32
      %dma_wait3A_447 = arith.constant 0 : i32
      %dma_wait3A_448 = tpu.memref_slice %arg5[%dma_wait3A_446, %dma_wait3A_447] : memref<409600x128xf32, #tpu.memory_space<hbm>> -> memref<409600x128xf32, #tpu.memory_space<hbm>>
      tpu.wait_indirect_dma semaphore(%arg10 : memref<!tpu.dma_semaphore, #tpu.memory_space<semaphore_mem>>) src(%dma_wait3A_442 : memref<80x128xf32, #tpu.memory_space<vmem>>) dst(%dma_wait3A_448 : memref<409600x128xf32, #tpu.memory_space<hbm>>)
      %dma_wait3A_449 = arith.constant 7 : i32
      %dma_wait3A_450 = arith.constant 7 : i32
      %dma_wait3A_451 = arith.constant 0 : i32
      %dma_wait3A_452 = arith.constant 0 : i32
      %dma_wait3A_453 = tpu.memref_slice %arg9[%dma_wait3A_449, %dma_wait3A_451, %dma_wait3A_452] : memref<10x80x128xf32, #tpu.memory_space<vmem>> -> memref<1x80x128xf32, #tpu.memory_space<vmem>>
      %dma_wait3A_454 = tpu.memref_squeeze %dma_wait3A_453 : memref<1x80x128xf32, #tpu.memory_space<vmem>> -> memref<80x128xf32, #tpu.memory_space<vmem>>
      %dma_wait3A_455 = arith.constant 0 : i32
      %dma_wait3A_456 = tpu.memref_slice %arg8[%scan3A_6, %dma_wait3A_450, %dma_wait3A_455] : memref<6x10x80xi32, #tpu.memory_space<vmem>> -> memref<1x1x80xi32, #tpu.memory_space<vmem>>
      %dma_wait3A_457 = tpu.memref_squeeze %dma_wait3A_456 : memref<1x1x80xi32, #tpu.memory_space<vmem>> -> memref<80xi32, #tpu.memory_space<vmem>>
      %dma_wait3A_458 = arith.constant 0 : i32
      %dma_wait3A_459 = arith.constant 0 : i32
      %dma_wait3A_460 = tpu.memref_slice %arg5[%dma_wait3A_458, %dma_wait3A_459] : memref<409600x128xf32, #tpu.memory_space<hbm>> -> memref<409600x128xf32, #tpu.memory_space<hbm>>
      tpu.wait_indirect_dma semaphore(%arg10 : memref<!tpu.dma_semaphore, #tpu.memory_space<semaphore_mem>>) src(%dma_wait3A_454 : memref<80x128xf32, #tpu.memory_space<vmem>>) dst(%dma_wait3A_460 : memref<409600x128xf32, #tpu.memory_space<hbm>>)
      %dma_wait3A_461 = arith.constant 8 : i32
      %dma_wait3A_462 = arith.constant 8 : i32
      %dma_wait3A_463 = arith.constant 0 : i32
      %dma_wait3A_464 = arith.constant 0 : i32
      %dma_wait3A_465 = tpu.memref_slice %arg9[%dma_wait3A_461, %dma_wait3A_463, %dma_wait3A_464] : memref<10x80x128xf32, #tpu.memory_space<vmem>> -> memref<1x80x128xf32, #tpu.memory_space<vmem>>
      %dma_wait3A_466 = tpu.memref_squeeze %dma_wait3A_465 : memref<1x80x128xf32, #tpu.memory_space<vmem>> -> memref<80x128xf32, #tpu.memory_space<vmem>>
      %dma_wait3A_467 = arith.constant 0 : i32
      %dma_wait3A_468 = tpu.memref_slice %arg8[%scan3A_6, %dma_wait3A_462, %dma_wait3A_467] : memref<6x10x80xi32, #tpu.memory_space<vmem>> -> memref<1x1x80xi32, #tpu.memory_space<vmem>>
      %dma_wait3A_469 = tpu.memref_squeeze %dma_wait3A_468 : memref<1x1x80xi32, #tpu.memory_space<vmem>> -> memref<80xi32, #tpu.memory_space<vmem>>
      %dma_wait3A_470 = arith.constant 0 : i32
      %dma_wait3A_471 = arith.constant 0 : i32
      %dma_wait3A_472 = tpu.memref_slice %arg5[%dma_wait3A_470, %dma_wait3A_471] : memref<409600x128xf32, #tpu.memory_space<hbm>> -> memref<409600x128xf32, #tpu.memory_space<hbm>>
      tpu.wait_indirect_dma semaphore(%arg10 : memref<!tpu.dma_semaphore, #tpu.memory_space<semaphore_mem>>) src(%dma_wait3A_466 : memref<80x128xf32, #tpu.memory_space<vmem>>) dst(%dma_wait3A_472 : memref<409600x128xf32, #tpu.memory_space<hbm>>)
      %dma_wait3A_473 = arith.constant 9 : i32
      %dma_wait3A_474 = arith.constant 9 : i32
      %dma_wait3A_475 = arith.constant 0 : i32
      %dma_wait3A_476 = arith.constant 0 : i32
      %dma_wait3A_477 = tpu.memref_slice %arg9[%dma_wait3A_473, %dma_wait3A_475, %dma_wait3A_476] : memref<10x80x128xf32, #tpu.memory_space<vmem>> -> memref<1x80x128xf32, #tpu.memory_space<vmem>>
      %dma_wait3A_478 = tpu.memref_squeeze %dma_wait3A_477 : memref<1x80x128xf32, #tpu.memory_space<vmem>> -> memref<80x128xf32, #tpu.memory_space<vmem>>
      %dma_wait3A_479 = arith.constant 0 : i32
      %dma_wait3A_480 = tpu.memref_slice %arg8[%scan3A_6, %dma_wait3A_474, %dma_wait3A_479] : memref<6x10x80xi32, #tpu.memory_space<vmem>> -> memref<1x1x80xi32, #tpu.memory_space<vmem>>
      %dma_wait3A_481 = tpu.memref_squeeze %dma_wait3A_480 : memref<1x1x80xi32, #tpu.memory_space<vmem>> -> memref<80xi32, #tpu.memory_space<vmem>>
      %dma_wait3A_482 = arith.constant 0 : i32
      %dma_wait3A_483 = arith.constant 0 : i32
      %dma_wait3A_484 = tpu.memref_slice %arg5[%dma_wait3A_482, %dma_wait3A_483] : memref<409600x128xf32, #tpu.memory_space<hbm>> -> memref<409600x128xf32, #tpu.memory_space<hbm>>
      tpu.wait_indirect_dma semaphore(%arg10 : memref<!tpu.dma_semaphore, #tpu.memory_space<semaphore_mem>>) src(%dma_wait3A_478 : memref<80x128xf32, #tpu.memory_space<vmem>>) dst(%dma_wait3A_484 : memref<409600x128xf32, #tpu.memory_space<hbm>>)
    }
    %scan3A_5 = arith.constant 6 : i32
    return
  }
}

module attributes {stable_mosaic.version = 14 : i64} {
  func.func @_tc_body(%arg0: i32, %arg1: memref<1x3x1600xf32, #tpu.memory_space<vmem>>, %arg2: memref<1x1x6400xf32, #tpu.memory_space<vmem>>, %arg3: memref<1x1x12800xf32, #tpu.memory_space<vmem>>, %arg4: memref<32x8xf32, #tpu.memory_space<vmem>>, %arg5: memref<8x128xf32, #tpu.memory_space<vmem>>, %arg6: memref<8x128xf32, #tpu.memory_space<vmem>>, %arg7: memref<8x128xf32, #tpu.memory_space<vmem>>, %arg8: memref<8x128xf32, #tpu.memory_space<vmem>>, %arg9: memref<4x128xf32, #tpu.memory_space<vmem>>, %arg10: memref<4x128xf32, #tpu.memory_space<vmem>>, %arg11: memref<100x128xf32, #tpu.memory_space<vmem>>, %arg12: memref<100x128xf32, #tpu.memory_space<vmem>>, %arg13: memref<100x128xf32, #tpu.memory_space<vmem>>, %arg14: memref<32x8x128xf32, #tpu.memory_space<vmem>>, %arg15: memref<1600x8x128xf32, #tpu.memory_space<vmem>>, %arg16: memref<1600x4x128xf32, #tpu.memory_space<vmem>>, %arg17: memref<312x128xf32, #tpu.memory_space<vmem>>, %arg18: memref<1x3x1600xi32, #tpu.memory_space<vmem>>, %arg19: memref<1x3x1600xi32, #tpu.memory_space<vmem>>, %arg20: memref<16x128xbf16, #tpu.memory_space<vmem>>, %arg21: memref<12x128xbf16, #tpu.memory_space<vmem>>, %arg22: memref<8x6400xbf16, #tpu.memory_space<vmem>>, %arg23: memref<10x12800xbf16, #tpu.memory_space<vmem>>, %arg24: memref<1x12800xbf16, #tpu.memory_space<vmem>>) attributes {dimension_semantics = [#tpu.dimension_semantics<arbitrary>], iteration_bounds = array<i64: 32>, scalar_prefetch = 0 : i64, scratch_operands = 5 : i64, tpu.core_type = #tpu.core_type<tc>, window_params = [{transform_indices = @transform_0, window_bounds = array<i64: 1, 3, 1600>}, {transform_indices = @transform_1, window_bounds = array<i64: 1, 1, 6400>}, {transform_indices = @transform_2, window_bounds = array<i64: 1, 1, 12800>}, {transform_indices = @transform_3, window_bounds = array<i64: 32, 8>}, {pipeline_mode = #tpu.pipeline_mode<synchronous>, transform_indices = @transform_4, window_bounds = array<i64: 8, 128>}, {pipeline_mode = #tpu.pipeline_mode<synchronous>, transform_indices = @transform_5, window_bounds = array<i64: 8, 128>}, {pipeline_mode = #tpu.pipeline_mode<synchronous>, transform_indices = @transform_6, window_bounds = array<i64: 8, 128>}, {pipeline_mode = #tpu.pipeline_mode<synchronous>, transform_indices = @transform_7, window_bounds = array<i64: 8, 128>}, {pipeline_mode = #tpu.pipeline_mode<synchronous>, transform_indices = @transform_8, window_bounds = array<i64: 4, 128>}, {pipeline_mode = #tpu.pipeline_mode<synchronous>, transform_indices = @transform_9, window_bounds = array<i64: 4, 128>}, {pipeline_mode = #tpu.pipeline_mode<synchronous>, transform_indices = @transform_10, window_bounds = array<i64: 100, 128>}, {pipeline_mode = #tpu.pipeline_mode<synchronous>, transform_indices = @transform_11, window_bounds = array<i64: 100, 128>}, {pipeline_mode = #tpu.pipeline_mode<synchronous>, transform_indices = @transform_12, window_bounds = array<i64: 100, 128>}, {transform_indices = @transform_13, window_bounds = array<i64: 32, 8, 128>}, {transform_indices = @transform_14, window_bounds = array<i64: 1600, 8, 128>}, {transform_indices = @transform_15, window_bounds = array<i64: 1600, 4, 128>}, {pipeline_mode = #tpu.pipeline_mode<synchronous>, transform_indices = @transform_16, window_bounds = array<i64: 312, 128>}, {transform_indices = @transform_17, window_bounds = array<i64: 1, 3, 1600>}, {transform_indices = @transform_18, window_bounds = array<i64: 1, 3, 1600>}]} {
    %eq3A = arith.constant 0 : i32
    %eq3A_0 = arith.cmpi eq, %arg0, %eq3A : i32
    %convert_element_type3A = arith.extui %eq3A_0 : i1 to i32
    %cond3A = arith.constant 0 : i32
    %cond3A_1 = arith.cmpi ne, %convert_element_type3A, %cond3A : i32
    scf.if %cond3A_1 {
      %get3A_95 = arith.constant 0 : index
      %get3A_96 = arith.constant 0 : index
      %get3A_97 = vector.load %arg11[%get3A_95, %get3A_96] : memref<100x128xf32, #tpu.memory_space<vmem>>, vector<100x128xf32>
      %mul3A_98 = arith.constant 5.000000e-01 : f32
      %mul3A_99 = vector.broadcast %mul3A_98 : f32 to vector<100x128xf32>
      %mul3A_100 = arith.mulf %mul3A_99, %get3A_97 : vector<100x128xf32>
      %mul3A_101 = arith.constant 0.707106769 : f32
      %mul3A_102 = vector.broadcast %mul3A_101 : f32 to vector<100x128xf32>
      %mul3A_103 = arith.mulf %get3A_97, %mul3A_102 : vector<100x128xf32>
      %erf3A = math.erf %mul3A_103 : vector<100x128xf32>
      %add3A_104 = arith.constant 1.000000e+00 : f32
      %add3A_105 = vector.broadcast %add3A_104 : f32 to vector<100x128xf32>
      %add3A_106 = arith.addf %add3A_105, %erf3A : vector<100x128xf32>
      %mul3A_107 = arith.mulf %mul3A_100, %add3A_106 : vector<100x128xf32>
      %swap3A_108 = arith.constant 0 : index
      %swap3A_109 = arith.constant 0 : index
      %swap3A_110 = vector.load %arg17[%swap3A_108, %swap3A_109] : memref<312x128xf32, #tpu.memory_space<vmem>>, vector<100x128xf32>
      tpu.vector_store %arg17[%swap3A_108, %swap3A_109], %mul3A_107 {strides = array<i32>} : memref<312x128xf32, #tpu.memory_space<vmem>>, vector<100x128xf32>,
      %get3A_111 = arith.constant 0 : index
      %get3A_112 = arith.constant 0 : index
      %get3A_113 = vector.load %arg12[%get3A_111, %get3A_112] : memref<100x128xf32, #tpu.memory_space<vmem>>, vector<100x128xf32>
      %mul3A_114 = arith.constant 5.000000e-01 : f32
      %mul3A_115 = vector.broadcast %mul3A_114 : f32 to vector<100x128xf32>
      %mul3A_116 = arith.mulf %mul3A_115, %get3A_113 : vector<100x128xf32>
      %mul3A_117 = arith.constant 0.707106769 : f32
      %mul3A_118 = vector.broadcast %mul3A_117 : f32 to vector<100x128xf32>
      %mul3A_119 = arith.mulf %get3A_113, %mul3A_118 : vector<100x128xf32>
      %erf3A_120 = math.erf %mul3A_119 : vector<100x128xf32>
      %add3A_121 = arith.constant 1.000000e+00 : f32
      %add3A_122 = vector.broadcast %add3A_121 : f32 to vector<100x128xf32>
      %add3A_123 = arith.addf %add3A_122, %erf3A_120 : vector<100x128xf32>
      %mul3A_124 = arith.mulf %mul3A_116, %add3A_123 : vector<100x128xf32>
      %swap3A_125 = arith.constant 104 : index
      %swap3A_126 = arith.constant 0 : index
      %swap3A_127 = vector.load %arg17[%swap3A_125, %swap3A_126] : memref<312x128xf32, #tpu.memory_space<vmem>>, vector<100x128xf32>
      tpu.vector_store %arg17[%swap3A_125, %swap3A_126], %mul3A_124 {strides = array<i32>} : memref<312x128xf32, #tpu.memory_space<vmem>>, vector<100x128xf32>,
      %get3A_128 = arith.constant 0 : index
      %get3A_129 = arith.constant 0 : index
      %get3A_130 = vector.load %arg13[%get3A_128, %get3A_129] : memref<100x128xf32, #tpu.memory_space<vmem>>, vector<100x128xf32>
      %mul3A_131 = arith.constant 5.000000e-01 : f32
      %mul3A_132 = vector.broadcast %mul3A_131 : f32 to vector<100x128xf32>
      %mul3A_133 = arith.mulf %mul3A_132, %get3A_130 : vector<100x128xf32>
      %mul3A_134 = arith.constant 0.707106769 : f32
      %mul3A_135 = vector.broadcast %mul3A_134 : f32 to vector<100x128xf32>
      %mul3A_136 = arith.mulf %get3A_130, %mul3A_135 : vector<100x128xf32>
      %erf3A_137 = math.erf %mul3A_136 : vector<100x128xf32>
      %add3A_138 = arith.constant 1.000000e+00 : f32
      %add3A_139 = vector.broadcast %add3A_138 : f32 to vector<100x128xf32>
      %add3A_140 = arith.addf %add3A_139, %erf3A_137 : vector<100x128xf32>
      %mul3A_141 = arith.mulf %mul3A_133, %add3A_140 : vector<100x128xf32>
      %swap3A_142 = arith.constant 208 : index
      %swap3A_143 = arith.constant 0 : index
      %swap3A_144 = vector.load %arg17[%swap3A_142, %swap3A_143] : memref<312x128xf32, #tpu.memory_space<vmem>>, vector<100x128xf32>
      tpu.vector_store %arg17[%swap3A_142, %swap3A_143], %mul3A_141 {strides = array<i32>} : memref<312x128xf32, #tpu.memory_space<vmem>>, vector<100x128xf32>,
      %get3A_145 = arith.constant 0 : index
      %get3A_146 = arith.constant 0 : index
      %get3A_147 = vector.load %arg9[%get3A_145, %get3A_146] : memref<4x128xf32, #tpu.memory_space<vmem>>, vector<4x128xf32>
      %convert_element_type3A_148 = arith.truncf %get3A_147 : vector<4x128xf32> to vector<4x128xbf16>
      %convert_element_type3A_149 = arith.extf %convert_element_type3A_148 : vector<4x128xbf16> to vector<4x128xf32>
      %sub3A = arith.subf %get3A_147, %convert_element_type3A_149 : vector<4x128xf32>
      %convert_element_type3A_150 = arith.truncf %sub3A : vector<4x128xf32> to vector<4x128xbf16>
      %get3A_151 = arith.constant 0 : index
      %get3A_152 = arith.constant 0 : index
      %get3A_153 = vector.load %arg10[%get3A_151, %get3A_152] : memref<4x128xf32, #tpu.memory_space<vmem>>, vector<4x128xf32>
      %convert_element_type3A_154 = arith.truncf %get3A_153 : vector<4x128xf32> to vector<4x128xbf16>
      %convert_element_type3A_155 = arith.extf %convert_element_type3A_154 : vector<4x128xbf16> to vector<4x128xf32>
      %sub3A_156 = arith.subf %get3A_153, %convert_element_type3A_155 : vector<4x128xf32>
      %convert_element_type3A_157 = arith.truncf %sub3A_156 : vector<4x128xf32> to vector<4x128xbf16>
      %concatenate3A_158 = tpu.concatenate %convert_element_type3A_148, %convert_element_type3A_150, %convert_element_type3A_154, %convert_element_type3A_157 in 0 : vector<4x128xbf16>, vector<4x128xbf16>, vector<4x128xbf16>, vector<4x128xbf16> -> vector<16x128xbf16>
      %swap3A_159 = arith.constant 0 : index
      %swap3A_160 = arith.constant 0 : index
      %swap3A_161 = vector.load %arg20[%swap3A_159, %swap3A_160] : memref<16x128xbf16, #tpu.memory_space<vmem>>, vector<16x128xbf16>
      tpu.vector_store %arg20[%swap3A_159, %swap3A_160], %concatenate3A_158 {strides = array<i32>} : memref<16x128xbf16, #tpu.memory_space<vmem>>, vector<16x128xbf16>,
      %get3A_162 = arith.constant 3 : index
      %get3A_163 = arith.constant 0 : index
      %get3A_164 = vector.load %arg7[%get3A_162, %get3A_163] : memref<8x128xf32, #tpu.memory_space<vmem>>, vector<1x128xf32>
      %convert_element_type3A_165 = arith.truncf %get3A_164 : vector<1x128xf32> to vector<1x128xbf16>
      %convert_element_type3A_166 = arith.extf %convert_element_type3A_165 : vector<1x128xbf16> to vector<1x128xf32>
      %sub3A_167 = arith.subf %get3A_164, %convert_element_type3A_166 : vector<1x128xf32>
      %convert_element_type3A_168 = arith.truncf %sub3A_167 : vector<1x128xf32> to vector<1x128xbf16>
      %get3A_169 = arith.constant 3 : index
      %get3A_170 = arith.constant 0 : index
      %get3A_171 = vector.load %arg8[%get3A_169, %get3A_170] : memref<8x128xf32, #tpu.memory_space<vmem>>, vector<5x128xf32>
      %convert_element_type3A_172 = arith.truncf %get3A_171 : vector<5x128xf32> to vector<5x128xbf16>
      %convert_element_type3A_173 = arith.extf %convert_element_type3A_172 : vector<5x128xbf16> to vector<5x128xf32>
      %sub3A_174 = arith.subf %get3A_171, %convert_element_type3A_173 : vector<5x128xf32>
      %convert_element_type3A_175 = arith.truncf %sub3A_174 : vector<5x128xf32> to vector<5x128xbf16>
      %concatenate3A_176 = tpu.concatenate %convert_element_type3A_165, %convert_element_type3A_168, %convert_element_type3A_172, %convert_element_type3A_175 in 0 : vector<1x128xbf16>, vector<1x128xbf16>, vector<5x128xbf16>, vector<5x128xbf16> -> vector<12x128xbf16>
      %swap3A_177 = arith.constant 0 : index
      %swap3A_178 = arith.constant 0 : index
      %swap3A_179 = vector.load %arg21[%swap3A_177, %swap3A_178] : memref<12x128xbf16, #tpu.memory_space<vmem>>, vector<12x128xbf16>
      tpu.vector_store %arg21[%swap3A_177, %swap3A_178], %concatenate3A_176 {strides = array<i32>} : memref<12x128xbf16, #tpu.memory_space<vmem>>, vector<12x128xbf16>,
      %iota3A_180 = tpu.iota {dimensions = array<i32: 1>} : vector<8x6400xi32>
      %jit3A = arith.constant 4 : i32
      %eq3A_181 = arith.constant 0 : i32
      %eq3A_182 = arith.cmpi eq, %jit3A, %eq3A_181 : i32
      %jit3A_183 = arith.constant 1 : i32
      %select_n3A = arith.select %eq3A_182, %jit3A_183, %jit3A : i32
      %rem3A = vector.broadcast %select_n3A : i32 to vector<8x6400xi32>
      %rem3A_184 = arith.remsi %iota3A_180, %rem3A : vector<8x6400xi32>
      %ne3A = arith.constant 0 : i32
      %ne3A_185 = vector.broadcast %ne3A : i32 to vector<8x6400xi32>
      %ne3A_186 = arith.cmpi ne, %rem3A_184, %ne3A_185 : vector<8x6400xi32>
      %lt3A = arith.constant 0 : i32
      %lt3A_187 = vector.broadcast %lt3A : i32 to vector<8x6400xi32>
      %lt3A_188 = arith.cmpi slt, %rem3A_184, %lt3A_187 : vector<8x6400xi32>
      %lt3A_189 = arith.constant 0 : i32
      %lt3A_190 = arith.cmpi slt, %select_n3A, %lt3A_189 : i32
      %ne3A_191 = vector.broadcast %lt3A_190 : i1 to vector<8x6400xi1>
      %ne3A_192 = vector.broadcast %ne3A_191 : vector<8x6400xi1> to vector<8x6400xi1>
      %ne3A_193 = arith.xori %lt3A_188, %ne3A_192 : vector<8x6400xi1>
      %and3A = arith.andi %ne3A_193, %ne3A_186 : vector<8x6400xi1>
      %add3A_194 = vector.broadcast %select_n3A : i32 to vector<8x6400xi32>
      %add3A_195 = arith.addi %rem3A_184, %add3A_194 : vector<8x6400xi32>
      %select_n3A_196 = arith.select %and3A, %add3A_195, %rem3A_184 : vector<8x6400xi1>, vector<8x6400xi32>
      %iota3A_197 = tpu.iota {dimensions = array<i32: 0>} : vector<8x6400xi32>
      %jit3A_198 = arith.constant 4 : i32
      %eq3A_199 = arith.constant 0 : i32
      %eq3A_200 = arith.cmpi eq, %jit3A_198, %eq3A_199 : i32
      %jit3A_201 = arith.constant 1 : i32
      %select_n3A_202 = arith.select %eq3A_200, %jit3A_201, %jit3A_198 : i32
      %rem3A_203 = vector.broadcast %select_n3A_202 : i32 to vector<8x6400xi32>
      %rem3A_204 = arith.remsi %iota3A_197, %rem3A_203 : vector<8x6400xi32>
      %ne3A_205 = arith.constant 0 : i32
      %ne3A_206 = vector.broadcast %ne3A_205 : i32 to vector<8x6400xi32>
      %ne3A_207 = arith.cmpi ne, %rem3A_204, %ne3A_206 : vector<8x6400xi32>
      %lt3A_208 = arith.constant 0 : i32
      %lt3A_209 = vector.broadcast %lt3A_208 : i32 to vector<8x6400xi32>
      %lt3A_210 = arith.cmpi slt, %rem3A_204, %lt3A_209 : vector<8x6400xi32>
      %lt3A_211 = arith.constant 0 : i32
      %lt3A_212 = arith.cmpi slt, %select_n3A_202, %lt3A_211 : i32
      %ne3A_213 = vector.broadcast %lt3A_212 : i1 to vector<8x6400xi1>
      %ne3A_214 = vector.broadcast %ne3A_213 : vector<8x6400xi1> to vector<8x6400xi1>
      %ne3A_215 = arith.xori %lt3A_210, %ne3A_214 : vector<8x6400xi1>
      %and3A_216 = arith.andi %ne3A_215, %ne3A_207 : vector<8x6400xi1>
      %add3A_217 = vector.broadcast %select_n3A_202 : i32 to vector<8x6400xi32>
      %add3A_218 = arith.addi %rem3A_204, %add3A_217 : vector<8x6400xi32>
      %select_n3A_219 = arith.select %and3A_216, %add3A_218, %rem3A_204 : vector<8x6400xi1>, vector<8x6400xi32>
      %eq3A_220 = arith.cmpi eq, %select_n3A_196, %select_n3A_219 : vector<8x6400xi32>
      %convert_element_type3A_221 = arith.extui %eq3A_220 : vector<8x6400xi1> to vector<8x6400xi32>
      %convert_element_type3A_222 = arith.sitofp %convert_element_type3A_221 : vector<8x6400xi32> to vector<8x6400xf32>
      %convert_element_type3A_223 = arith.truncf %convert_element_type3A_222 : vector<8x6400xf32> to vector<8x6400xbf16>
      %swap3A_224 = arith.constant 0 : index
      %swap3A_225 = arith.constant 0 : index
      %swap3A_226 = vector.load %arg22[%swap3A_224, %swap3A_225] : memref<8x6400xbf16, #tpu.memory_space<vmem>>, vector<8x6400xbf16>
      tpu.vector_store %arg22[%swap3A_224, %swap3A_225], %convert_element_type3A_223 {strides = array<i32>} : memref<8x6400xbf16, #tpu.memory_space<vmem>>, vector<8x6400xbf16>,
      %iota3A_227 = tpu.iota {dimensions = array<i32: 1>} : vector<10x12800xi32>
      %jit3A_228 = arith.constant 8 : i32
      %eq3A_229 = arith.constant 0 : i32
      %eq3A_230 = arith.cmpi eq, %jit3A_228, %eq3A_229 : i32
      %jit3A_231 = arith.constant 1 : i32
      %select_n3A_232 = arith.select %eq3A_230, %jit3A_231, %jit3A_228 : i32
      %rem3A_233 = vector.broadcast %select_n3A_232 : i32 to vector<10x12800xi32>
      %rem3A_234 = arith.remsi %iota3A_227, %rem3A_233 : vector<10x12800xi32>
      %ne3A_235 = arith.constant 0 : i32
      %ne3A_236 = vector.broadcast %ne3A_235 : i32 to vector<10x12800xi32>
      %ne3A_237 = arith.cmpi ne, %rem3A_234, %ne3A_236 : vector<10x12800xi32>
      %lt3A_238 = arith.constant 0 : i32
      %lt3A_239 = vector.broadcast %lt3A_238 : i32 to vector<10x12800xi32>
      %lt3A_240 = arith.cmpi slt, %rem3A_234, %lt3A_239 : vector<10x12800xi32>
      %lt3A_241 = arith.constant 0 : i32
      %lt3A_242 = arith.cmpi slt, %select_n3A_232, %lt3A_241 : i32
      %ne3A_243 = vector.broadcast %lt3A_242 : i1 to vector<10x12800xi1>
      %ne3A_244 = vector.broadcast %ne3A_243 : vector<10x12800xi1> to vector<10x12800xi1>
      %ne3A_245 = arith.xori %lt3A_240, %ne3A_244 : vector<10x12800xi1>
      %and3A_246 = arith.andi %ne3A_245, %ne3A_237 : vector<10x12800xi1>
      %add3A_247 = vector.broadcast %select_n3A_232 : i32 to vector<10x12800xi32>
      %add3A_248 = arith.addi %rem3A_234, %add3A_247 : vector<10x12800xi32>
      %select_n3A_249 = arith.select %and3A_246, %add3A_248, %rem3A_234 : vector<10x12800xi1>, vector<10x12800xi32>
      %iota3A_250 = tpu.iota {dimensions = array<i32: 0>} : vector<10x12800xi32>
      %jit3A_251 = arith.constant 5 : i32
      %eq3A_252 = arith.constant 0 : i32
      %eq3A_253 = arith.cmpi eq, %jit3A_251, %eq3A_252 : i32
      %jit3A_254 = arith.constant 1 : i32
      %select_n3A_255 = arith.select %eq3A_253, %jit3A_254, %jit3A_251 : i32
      %rem3A_256 = vector.broadcast %select_n3A_255 : i32 to vector<10x12800xi32>
      %rem3A_257 = arith.remsi %iota3A_250, %rem3A_256 : vector<10x12800xi32>
      %ne3A_258 = arith.constant 0 : i32
      %ne3A_259 = vector.broadcast %ne3A_258 : i32 to vector<10x12800xi32>
      %ne3A_260 = arith.cmpi ne, %rem3A_257, %ne3A_259 : vector<10x12800xi32>
      %lt3A_261 = arith.constant 0 : i32
      %lt3A_262 = vector.broadcast %lt3A_261 : i32 to vector<10x12800xi32>
      %lt3A_263 = arith.cmpi slt, %rem3A_257, %lt3A_262 : vector<10x12800xi32>
      %lt3A_264 = arith.constant 0 : i32
      %lt3A_265 = arith.cmpi slt, %select_n3A_255, %lt3A_264 : i32
      %ne3A_266 = vector.broadcast %lt3A_265 : i1 to vector<10x12800xi1>
      %ne3A_267 = vector.broadcast %ne3A_266 : vector<10x12800xi1> to vector<10x12800xi1>
      %ne3A_268 = arith.xori %lt3A_263, %ne3A_267 : vector<10x12800xi1>
      %and3A_269 = arith.andi %ne3A_268, %ne3A_260 : vector<10x12800xi1>
      %add3A_270 = vector.broadcast %select_n3A_255 : i32 to vector<10x12800xi32>
      %add3A_271 = arith.addi %rem3A_257, %add3A_270 : vector<10x12800xi32>
      %select_n3A_272 = arith.select %and3A_269, %add3A_271, %rem3A_257 : vector<10x12800xi1>, vector<10x12800xi32>
      %add3A_273 = arith.constant 3 : i32
      %add3A_274 = vector.broadcast %add3A_273 : i32 to vector<10x12800xi32>
      %add3A_275 = arith.addi %add3A_274, %select_n3A_272 : vector<10x12800xi32>
      %eq3A_276 = arith.cmpi eq, %select_n3A_249, %add3A_275 : vector<10x12800xi32>
      %convert_element_type3A_277 = arith.extui %eq3A_276 : vector<10x12800xi1> to vector<10x12800xi32>
      %convert_element_type3A_278 = arith.sitofp %convert_element_type3A_277 : vector<10x12800xi32> to vector<10x12800xf32>
      %convert_element_type3A_279 = arith.truncf %convert_element_type3A_278 : vector<10x12800xf32> to vector<10x12800xbf16>
      %swap3A_280 = arith.constant 0 : index
      %swap3A_281 = arith.constant 0 : index
      %swap3A_282 = vector.load %arg23[%swap3A_280, %swap3A_281] : memref<10x12800xbf16, #tpu.memory_space<vmem>>, vector<10x12800xbf16>
      tpu.vector_store %arg23[%swap3A_280, %swap3A_281], %convert_element_type3A_279 {strides = array<i32>} : memref<10x12800xbf16, #tpu.memory_space<vmem>>, vector<10x12800xbf16>,
      %iota3A_283 = tpu.iota {dimensions = array<i32: 1>} : vector<1x12800xi32>
      %jit3A_284 = arith.constant 8 : i32
      %eq3A_285 = arith.constant 0 : i32
      %eq3A_286 = arith.cmpi eq, %jit3A_284, %eq3A_285 : i32
      %jit3A_287 = arith.constant 1 : i32
      %select_n3A_288 = arith.select %eq3A_286, %jit3A_287, %jit3A_284 : i32
      %rem3A_289 = vector.broadcast %select_n3A_288 : i32 to vector<1x12800xi32>
      %rem3A_290 = arith.remsi %iota3A_283, %rem3A_289 : vector<1x12800xi32>
      %ne3A_291 = arith.constant 0 : i32
      %ne3A_292 = vector.broadcast %ne3A_291 : i32 to vector<1x12800xi32>
      %ne3A_293 = arith.cmpi ne, %rem3A_290, %ne3A_292 : vector<1x12800xi32>
      %lt3A_294 = arith.constant 0 : i32
      %lt3A_295 = vector.broadcast %lt3A_294 : i32 to vector<1x12800xi32>
      %lt3A_296 = arith.cmpi slt, %rem3A_290, %lt3A_295 : vector<1x12800xi32>
      %lt3A_297 = arith.constant 0 : i32
      %lt3A_298 = arith.cmpi slt, %select_n3A_288, %lt3A_297 : i32
      %ne3A_299 = vector.broadcast %lt3A_298 : i1 to vector<1x12800xi1>
      %ne3A_300 = vector.broadcast %ne3A_299 : vector<1x12800xi1> to vector<1x12800xi1>
      %ne3A_301 = arith.xori %lt3A_296, %ne3A_300 : vector<1x12800xi1>
      %and3A_302 = arith.andi %ne3A_301, %ne3A_293 : vector<1x12800xi1>
      %add3A_303 = vector.broadcast %select_n3A_288 : i32 to vector<1x12800xi32>
      %add3A_304 = arith.addi %rem3A_290, %add3A_303 : vector<1x12800xi32>
      %select_n3A_305 = arith.select %and3A_302, %add3A_304, %rem3A_290 : vector<1x12800xi1>, vector<1x12800xi32>
      %ge3A = arith.constant 3 : i32
      %ge3A_306 = vector.broadcast %ge3A : i32 to vector<1x12800xi32>
      %ge3A_307 = arith.cmpi sge, %select_n3A_305, %ge3A_306 : vector<1x12800xi32>
      %convert_element_type3A_308 = arith.extui %ge3A_307 : vector<1x12800xi1> to vector<1x12800xi32>
      %convert_element_type3A_309 = arith.sitofp %convert_element_type3A_308 : vector<1x12800xi32> to vector<1x12800xf32>
      %convert_element_type3A_310 = arith.truncf %convert_element_type3A_309 : vector<1x12800xf32> to vector<1x12800xbf16>
      %swap3A_311 = arith.constant 0 : index
      %swap3A_312 = arith.constant 0 : index
      %swap3A_313 = vector.load %arg24[%swap3A_311, %swap3A_312] : memref<1x12800xbf16, #tpu.memory_space<vmem>>, vector<1x12800xbf16>
      tpu.vector_store %arg24[%swap3A_311, %swap3A_312], %convert_element_type3A_310 {strides = array<i32>} : memref<1x12800xbf16, #tpu.memory_space<vmem>>, vector<1x12800xbf16>,
    } else {
    }
    %get3A = arith.constant 0 : index
    %get3A_2 = arith.constant 0 : index
    %get3A_3 = arith.constant 0 : index
    %get3A_4 = vector.load %arg1[%get3A, %get3A_2, %get3A_3] : memref<1x3x1600xf32, #tpu.memory_space<vmem>>, vector<1x3x1600xf32>
    %get3A_5 = vector.shape_cast %get3A_4 : vector<1x3x1600xf32> to vector<3x1600xf32>
    %iota3A = tpu.iota {dimensions = array<i32: 0>} : vector<3x1600xi32>
    %iota3A_6 = tpu.iota {dimensions = array<i32: 1>} : vector<3x1600xi32>
    %floor3A = math.floor %get3A_5 : vector<3x1600xf32>
    %convert_element_type3A_7 = arith.fptosi %floor3A : vector<3x1600xf32> to vector<3x1600xi32>
    %mul3A = arith.constant 104 : i32
    %mul3A_8 = vector.broadcast %mul3A : i32 to vector<3x1600xi32>
    %mul3A_9 = arith.muli %iota3A, %mul3A_8 : vector<3x1600xi32>
    %add3A = arith.addi %convert_element_type3A_7, %mul3A_9 : vector<3x1600xi32>
    %swap3A = arith.constant 0 : index
    %swap3A_10 = arith.constant 0 : index
    %swap3A_11 = arith.constant 0 : index
    %swap3A_12 = vector.load %arg18[%swap3A, %swap3A_10, %swap3A_11] : memref<1x3x1600xi32, #tpu.memory_space<vmem>>, vector<1x3x1600xi32>
    %swap3A_13 = vector.shape_cast %swap3A_12 : vector<1x3x1600xi32> to vector<3x1600xi32>
    %swap3A_14 = vector.shape_cast %add3A : vector<3x1600xi32> to vector<1x3x1600xi32>
    tpu.vector_store %arg18[%swap3A, %swap3A_10, %swap3A_11], %swap3A_14 {strides = array<i32>} : memref<1x3x1600xi32, #tpu.memory_space<vmem>>, vector<1x3x1600xi32>,
    %mul3A_15 = arith.constant 1600 : i32
    %mul3A_16 = arith.muli %arg0, %mul3A_15 : i32
    %add3A_17 = vector.broadcast %mul3A_16 : i32 to vector<3x1600xi32>
    %add3A_18 = arith.addi %add3A_17, %iota3A_6 : vector<3x1600xi32>
    %mul3A_19 = arith.constant 8 : i32
    %mul3A_20 = vector.broadcast %mul3A_19 : i32 to vector<3x1600xi32>
    %mul3A_21 = arith.muli %add3A_18, %mul3A_20 : vector<3x1600xi32>
    %add3A_22 = arith.addi %mul3A_21, %iota3A : vector<3x1600xi32>
    %swap3A_23 = arith.constant 0 : index
    %swap3A_24 = arith.constant 0 : index
    %swap3A_25 = arith.constant 0 : index
    %swap3A_26 = vector.load %arg19[%swap3A_23, %swap3A_24, %swap3A_25] : memref<1x3x1600xi32, #tpu.memory_space<vmem>>, vector<1x3x1600xi32>
    %swap3A_27 = vector.shape_cast %swap3A_26 : vector<1x3x1600xi32> to vector<3x1600xi32>
    %swap3A_28 = vector.shape_cast %add3A_22 : vector<3x1600xi32> to vector<1x3x1600xi32>
    tpu.vector_store %arg19[%swap3A_23, %swap3A_24, %swap3A_25], %swap3A_28 {strides = array<i32>} : memref<1x3x1600xi32, #tpu.memory_space<vmem>>, vector<1x3x1600xi32>,
    %get3A_29 = arith.constant 0 : index
    %get3A_30 = arith.constant 0 : index
    %get3A_31 = vector.load %arg4[%get3A_29, %get3A_30] : memref<32x8xf32, #tpu.memory_space<vmem>>, vector<32x8xf32>
    %broadcast_in_dim3A = vector.shape_cast %get3A_31 : vector<32x8xf32> to vector<32x8x1xf32>
    %get3A_32 = arith.constant 0 : index
    %get3A_33 = arith.constant 0 : index
    %get3A_34 = vector.load %arg5[%get3A_32, %get3A_33] : memref<8x128xf32, #tpu.memory_space<vmem>>, vector<8x128xf32>
    %broadcast_in_dim3A_35 = vector.shape_cast %get3A_34 : vector<8x128xf32> to vector<1x8x128xf32>
    %mul3A_36 = vector.broadcast %broadcast_in_dim3A : vector<32x8x1xf32> to vector<32x8x128xf32>
    %mul3A_37 = vector.broadcast %broadcast_in_dim3A_35 : vector<1x8x128xf32> to vector<32x8x128xf32>
    %mul3A_38 = arith.mulf %mul3A_36, %mul3A_37 : vector<32x8x128xf32>
    %get3A_39 = arith.constant 0 : index
    %get3A_40 = arith.constant 0 : index
    %get3A_41 = vector.load %arg6[%get3A_39, %get3A_40] : memref<8x128xf32, #tpu.memory_space<vmem>>, vector<8x128xf32>
    %broadcast_in_dim3A_42 = vector.shape_cast %get3A_41 : vector<8x128xf32> to vector<1x8x128xf32>
    %add3A_43 = vector.broadcast %broadcast_in_dim3A_42 : vector<1x8x128xf32> to vector<32x8x128xf32>
    %add3A_44 = arith.addf %mul3A_38, %add3A_43 : vector<32x8x128xf32>
    %swap3A_45 = arith.constant 0 : index
    %swap3A_46 = arith.constant 0 : index
    %swap3A_47 = arith.constant 0 : index
    %swap3A_48 = vector.load %arg14[%swap3A_45, %swap3A_46, %swap3A_47] : memref<32x8x128xf32, #tpu.memory_space<vmem>>, vector<32x8x128xf32>
    tpu.vector_store %arg14[%swap3A_45, %swap3A_46, %swap3A_47], %add3A_44 {strides = array<i32>} : memref<32x8x128xf32, #tpu.memory_space<vmem>>, vector<32x8x128xf32>,
    %get3A_49 = arith.constant 0 : index
    %get3A_50 = arith.constant 0 : index
    %get3A_51 = arith.constant 0 : index
    %get3A_52 = vector.load %arg2[%get3A_49, %get3A_50, %get3A_51] : memref<1x1x6400xf32, #tpu.memory_space<vmem>>, vector<1x1x6400xf32>
    %get3A_53 = vector.shape_cast %get3A_52 : vector<1x1x6400xf32> to vector<1x6400xf32>
    %convert_element_type3A_54 = arith.truncf %get3A_53 : vector<1x6400xf32> to vector<1x6400xbf16>
    %get3A_55 = arith.constant 0 : index
    %get3A_56 = arith.constant 0 : index
    %get3A_57 = vector.load %arg22[%get3A_55, %get3A_56] : memref<8x6400xbf16, #tpu.memory_space<vmem>>, vector<4x6400xbf16>
    %mul3A_58 = vector.broadcast %convert_element_type3A_54 : vector<1x6400xbf16> to vector<4x6400xbf16>
    %mul3A_59 = arith.mulf %get3A_57, %mul3A_58 : vector<4x6400xbf16>
    %get3A_60 = arith.constant 0 : index
    %get3A_61 = arith.constant 0 : index
    %get3A_62 = vector.load %arg22[%get3A_60, %get3A_61] : memref<8x6400xbf16, #tpu.memory_space<vmem>>, vector<8x6400xbf16>
    %concatenate3A = tpu.concatenate %mul3A_59, %mul3A_59, %get3A_62 in 0 : vector<4x6400xbf16>, vector<4x6400xbf16>, vector<8x6400xbf16> -> vector<16x6400xbf16>
    %get3A_63 = arith.constant 0 : index
    %get3A_64 = arith.constant 0 : index
    %get3A_65 = vector.load %arg20[%get3A_63, %get3A_64] : memref<16x128xbf16, #tpu.memory_space<vmem>>, vector<16x128xbf16>
    %dot_general3A = arith.constant dense<0.000000e+00> : vector<6400x128xf32>
    %dot_general3A_66 = tpu.matmul %concatenate3A, %get3A_65, %dot_general3A {dimension_numbers = #tpu.dot_dimension_numbers<[0], [0], [1], [1], [0, 1, 1, 1], [], []>, transpose_lhs_hint = false} : vector<16x6400xbf16>, vector<16x128xbf16>, vector<6400x128xf32> -> vector<6400x128xf32>
    %reshape3A = vector.shape_cast %dot_general3A_66 : vector<6400x128xf32> to vector<1600x4x128xf32>
    %swap3A_67 = arith.constant 0 : index
    %swap3A_68 = arith.constant 0 : index
    %swap3A_69 = arith.constant 0 : index
    %swap3A_70 = vector.load %arg16[%swap3A_67, %swap3A_68, %swap3A_69] : memref<1600x4x128xf32, #tpu.memory_space<vmem>>, vector<1600x4x128xf32>
    tpu.vector_store %arg16[%swap3A_67, %swap3A_68, %swap3A_69], %reshape3A {strides = array<i32>} : memref<1600x4x128xf32, #tpu.memory_space<vmem>>, vector<1600x4x128xf32>,
    %get3A_71 = arith.constant 0 : index
    %get3A_72 = arith.constant 0 : index
    %get3A_73 = arith.constant 0 : index
    %get3A_74 = vector.load %arg3[%get3A_71, %get3A_72, %get3A_73] : memref<1x1x12800xf32, #tpu.memory_space<vmem>>, vector<1x1x12800xf32>
    %get3A_75 = vector.shape_cast %get3A_74 : vector<1x1x12800xf32> to vector<1x12800xf32>
    %convert_element_type3A_76 = arith.truncf %get3A_75 : vector<1x12800xf32> to vector<1x12800xbf16>
    %get3A_77 = arith.constant 0 : index
    %get3A_78 = arith.constant 0 : index
    %get3A_79 = vector.load %arg24[%get3A_77, %get3A_78] : memref<1x12800xbf16, #tpu.memory_space<vmem>>, vector<1x12800xbf16>
    %mul3A_80 = arith.mulf %get3A_79, %convert_element_type3A_76 : vector<1x12800xbf16>
    %get3A_81 = arith.constant 0 : index
    %get3A_82 = arith.constant 0 : index
    %get3A_83 = vector.load %arg23[%get3A_81, %get3A_82] : memref<10x12800xbf16, #tpu.memory_space<vmem>>, vector<10x12800xbf16>
    %concatenate3A_84 = tpu.concatenate %mul3A_80, %mul3A_80, %get3A_83 in 0 : vector<1x12800xbf16>, vector<1x12800xbf16>, vector<10x12800xbf16> -> vector<12x12800xbf16>
    %get3A_85 = arith.constant 0 : index
    %get3A_86 = arith.constant 0 : index
    %get3A_87 = vector.load %arg21[%get3A_85, %get3A_86] : memref<12x128xbf16, #tpu.memory_space<vmem>>, vector<12x128xbf16>
    %dot_general3A_88 = arith.constant dense<0.000000e+00> : vector<12800x128xf32>
    %dot_general3A_89 = tpu.matmul %concatenate3A_84, %get3A_87, %dot_general3A_88 {dimension_numbers = #tpu.dot_dimension_numbers<[0], [0], [1], [1], [0, 1, 1, 1], [], []>, transpose_lhs_hint = false} : vector<12x12800xbf16>, vector<12x128xbf16>, vector<12800x128xf32> -> vector<12800x128xf32>
    %reshape3A_90 = vector.shape_cast %dot_general3A_89 : vector<12800x128xf32> to vector<1600x8x128xf32>
    %swap3A_91 = arith.constant 0 : index
    %swap3A_92 = arith.constant 0 : index
    %swap3A_93 = arith.constant 0 : index
    %swap3A_94 = vector.load %arg15[%swap3A_91, %swap3A_92, %swap3A_93] : memref<1600x8x128xf32, #tpu.memory_space<vmem>>, vector<1600x8x128xf32>
    tpu.vector_store %arg15[%swap3A_91, %swap3A_92, %swap3A_93], %reshape3A_90 {strides = array<i32>} : memref<1600x8x128xf32, #tpu.memory_space<vmem>>, vector<1600x8x128xf32>,
    return
  }
  func.func @transform_0(%arg0: i32) -> (i32, i32, i32) {
    %c0_i32 = arith.constant 0 : i32
    %c0_i32_0 = arith.constant 0 : i32
    %c0_i32_1 = arith.constant 0 : i32
    return %arg0, %c0_i32, %c0_i32_0 : i32, i32, i32
  }
  func.func @transform_1(%arg0: i32) -> (i32, i32, i32) {
    %c0_i32 = arith.constant 0 : i32
    %c0_i32_0 = arith.constant 0 : i32
    %c0_i32_1 = arith.constant 0 : i32
    return %arg0, %c0_i32, %c0_i32_0 : i32, i32, i32
  }
  func.func @transform_2(%arg0: i32) -> (i32, i32, i32) {
    %c0_i32 = arith.constant 0 : i32
    %c0_i32_0 = arith.constant 0 : i32
    %c0_i32_1 = arith.constant 0 : i32
    return %arg0, %c0_i32, %c0_i32_0 : i32, i32, i32
  }
  func.func @transform_3(%arg0: i32) -> (i32, i32) {
    %c0_i32 = arith.constant 0 : i32
    %c0_i32_0 = arith.constant 0 : i32
    return %arg0, %c0_i32 : i32, i32
  }
  func.func @transform_4(%arg0: i32) -> (i32, i32) {
    %c0_i32 = arith.constant 0 : i32
    %c0_i32_0 = arith.constant 0 : i32
    %c0_i32_1 = arith.constant 0 : i32
    return %c0_i32, %c0_i32_0 : i32, i32
  }
  func.func @transform_5(%arg0: i32) -> (i32, i32) {
    %c0_i32 = arith.constant 0 : i32
    %c0_i32_0 = arith.constant 0 : i32
    %c0_i32_1 = arith.constant 0 : i32
    return %c0_i32, %c0_i32_0 : i32, i32
  }
  func.func @transform_6(%arg0: i32) -> (i32, i32) {
    %c0_i32 = arith.constant 0 : i32
    %c0_i32_0 = arith.constant 0 : i32
    %c0_i32_1 = arith.constant 0 : i32
    return %c0_i32, %c0_i32_0 : i32, i32
  }
  func.func @transform_7(%arg0: i32) -> (i32, i32) {
    %c0_i32 = arith.constant 0 : i32
    %c0_i32_0 = arith.constant 0 : i32
    %c0_i32_1 = arith.constant 0 : i32
    return %c0_i32, %c0_i32_0 : i32, i32
  }
  func.func @transform_8(%arg0: i32) -> (i32, i32) {
    %c0_i32 = arith.constant 0 : i32
    %c0_i32_0 = arith.constant 0 : i32
    %c0_i32_1 = arith.constant 0 : i32
    return %c0_i32, %c0_i32_0 : i32, i32
  }
  func.func @transform_9(%arg0: i32) -> (i32, i32) {
    %c0_i32 = arith.constant 0 : i32
    %c0_i32_0 = arith.constant 0 : i32
    %c0_i32_1 = arith.constant 0 : i32
    return %c0_i32, %c0_i32_0 : i32, i32
  }
  func.func @transform_10(%arg0: i32) -> (i32, i32) {
    %c0_i32 = arith.constant 0 : i32
    %c0_i32_0 = arith.constant 0 : i32
    %c0_i32_1 = arith.constant 0 : i32
    return %c0_i32, %c0_i32_0 : i32, i32
  }
  func.func @transform_11(%arg0: i32) -> (i32, i32) {
    %c0_i32 = arith.constant 0 : i32
    %c0_i32_0 = arith.constant 0 : i32
    %c0_i32_1 = arith.constant 0 : i32
    return %c0_i32, %c0_i32_0 : i32, i32
  }
  func.func @transform_12(%arg0: i32) -> (i32, i32) {
    %c0_i32 = arith.constant 0 : i32
    %c0_i32_0 = arith.constant 0 : i32
    %c0_i32_1 = arith.constant 0 : i32
    return %c0_i32, %c0_i32_0 : i32, i32
  }
  func.func @transform_13(%arg0: i32) -> (i32, i32, i32) {
    %c0_i32 = arith.constant 0 : i32
    %c0_i32_0 = arith.constant 0 : i32
    %c0_i32_1 = arith.constant 0 : i32
    return %arg0, %c0_i32, %c0_i32_0 : i32, i32, i32
  }
  func.func @transform_14(%arg0: i32) -> (i32, i32, i32) {
    %c0_i32 = arith.constant 0 : i32
    %c0_i32_0 = arith.constant 0 : i32
    %c0_i32_1 = arith.constant 0 : i32
    return %arg0, %c0_i32, %c0_i32_0 : i32, i32, i32
  }
  func.func @transform_15(%arg0: i32) -> (i32, i32, i32) {
    %c0_i32 = arith.constant 0 : i32
    %c0_i32_0 = arith.constant 0 : i32
    %c0_i32_1 = arith.constant 0 : i32
    return %arg0, %c0_i32, %c0_i32_0 : i32, i32, i32
  }
  func.func @transform_16(%arg0: i32) -> (i32, i32) {
    %c0_i32 = arith.constant 0 : i32
    %c0_i32_0 = arith.constant 0 : i32
    %c0_i32_1 = arith.constant 0 : i32
    return %c0_i32, %c0_i32_0 : i32, i32
  }
  func.func @transform_17(%arg0: i32) -> (i32, i32, i32) {
    %c0_i32 = arith.constant 0 : i32
    %c0_i32_0 = arith.constant 0 : i32
    %c0_i32_1 = arith.constant 0 : i32
    return %arg0, %c0_i32, %c0_i32_0 : i32, i32, i32
  }
  func.func @transform_18(%arg0: i32) -> (i32, i32, i32) {
    %c0_i32 = arith.constant 0 : i32
    %c0_i32_0 = arith.constant 0 : i32
    %c0_i32_1 = arith.constant 0 : i32
    return %arg0, %c0_i32, %c0_i32_0 : i32, i32, i32
  }
}

</mosaic_0001>

<sc_bundles>
// kernel: kernel.4.cloned.1.call-start
scs
__scs_entry_jumppad:
0x0: {  	(pc) =	sbr.rel $0x88, $3  }
0x1: {  	(tag) =	ssettag $0x0;
	lr =	simm.s32 $0x1  }
0x2: {  	[smem:$0x3F95] =	sst lr;
	_ =	strace $0xD0000000  }
0x3: {  	_ = 	snop  }
0x4: {  	_ = 	snop  }
0x5: {  	_ = 	snop  }
0x6: {  	_ = 	snop  }
0x7: {  	_ = 	snop  }
__scs_overlays_trampoline_lowered:
0x8: {  	[smem:$0x3FA4] =	sst s0  }
0x9: {  	[smem:$0x3FA5] =	sst s1  }
0xa: {  	[smem:$0x3FA6] =	sst s2  }
0xb: {  	[smem:$0x3FA7] =	sst s3  }
0xc: {  	[smem:$0x3FA8] =	sst s4  }
0xd: {  	[smem:$0x3FA9] =	sst s5  }
0xe: {  	[smem:$0x3FAA] =	sst s6  }
0xf: {  	[smem:$0x3FAB] =	sst s7  }
0x10: {  	[smem:$0x3FAC] =	sst s8  }
0x11: {  	[smem:$0x3FAD] =	sst s9;
	s0 =	simm.s32 @!p0 $0x0  }
0x12: {  	s1 =	sld [smem:$0x3F93];
	s0 =	simm.s32 @p0 $0x1  }
0x13: {  	[smem:$0x3FAE] =	sst s0;
	s0 =	simm.s32 @!p1 $0x0  }
0x14: {  	s2 =	sld [smem:$0x3F92];
	s0 =	simm.s32 @p1 $0x1  }
0x15: {  	[smem:$0x3FAF] =	sst s0;
	s0 =	simm.s32 @!p2 $0x0  }
0x16: {  	s3 =	sld [smem:$0x3FDB];
	s0 =	simm.s32 @p2 $0x1  }
0x17: {  	s4 =	simm.s32 $0x1BF5;
	[smem:$0x3FB1] =	sst s0  }
0x18: {  	s0 =	sld [smem:$0x3F94];
	_ =	swait.ge [sflag:s4], $0x0  }
0x19: {  	s7 =	sld [smem:$0x3F95]  }
0x1a: {  	s8 =	sadd.s32 $0xFFFFE003, lr  }
0x1b: {  	s9 =	sadd.s32 $0xFFFFFEF7, lr;
	s5 =	simm.s32 $0xFFFFFFFF;
	p2 =	slt.u32 s8, $0xFFFFF086  }
0x1c: {  	p1 =	slt.u32 s9, $0xF7A;
	s5 =	simm.s32 @!p2 $0x0  }
0x1d: {  	s5 =	simm.s32 @p1 $0x1;
	p0 =	seq.s32 s7, s2  }
0x1e: {  	s7 =	smul.u32 @!p0 $0xF7A, s2;
	p2 =	seq.s32 @!p0 s5, $0x0  }
0x1f: {  	s9 =	smul.u32 $0xF7A, s1;
	s8 =	simm.s32 @!p0 $0x1BF5;
	p2 =	por !p2, p0  }
0x20: {  	[sflag:s8] =	ssyncset.s32 @!p0 $0xFFFFF086;
	s6 =	sadd.s32 @!p0 s3, s7;
	s7 =	simm.s32 @!p0 $0x108  }
0x21: {  	s3 =	sadd.s32 s3, s9;
	s6 =	sadd.s32 @!p0 $0x88, s6;
	s7 =	simm.s32 @p2 $0x1082  }
0x22: {  	[simem:s7], [sflag:s8] =	dma.local @!p0 [hbm:s6], $0xF7A  }
0x23: {  	s9 =	sor.u32 $0xD0000000, s2;
	s6 =	simm.s32 $0x108;
	_ =	swait.ge @!p0 [sflag:s8], $0x0  }
0x24: {  	s3 =	sadd.s32 $0x88, s3;
	s6 =	simm.s32 @!p1 $0x1082;
	[sflag:s4] =	ssyncset.s32 $0xFFFFF086  }
0x25: {  	[simem:s6], [sflag:s4] =	dma.local [hbm:s3], $0xF7A  }
0x26: {  	[smem:$0x3F95] =	sst s1;
	(tag) =	ssettag s2;
	_ =	strace s9  }
0x27: {  	s1 =	sld [smem:$0x3FA5]  }
0x28: {  	s2 =	sld [smem:$0x3FA6]  }
0x29: {  	s4 =	sld [smem:$0x3FA8]  }
0x2a: {  	p0 =	seq.s32 s5, $0x0;
	s5 =	sld [smem:$0x3FA9]  }
0x2b: {  	s6 =	sld [smem:$0x3FAA]  }
0x2c: {  	s7 =	sld [smem:$0x3FAB]  }
0x2d: {  	s3 =	simm.s32 $0x108;
	s8 =	sld [smem:$0x3FAC]  }
0x2e: {  	s3 =	simm.s32 @!p0 $0x1082;
	s9 =	sld [smem:$0x3FAD]  }
0x2f: {  	lr =	sadd.s32 s0, s3;
	s0 =	sld [smem:$0x3FA4]  }
0x30: {  	s3 =	sld [smem:$0x3FA7]  }
0x31: {  	[smem:$0x3FB0] =	sst s10  }
0x32: {  	s10 =	sld [smem:$0x3FAE];
	_ =	sdelay $0x3  }
0x33: {  	p0 =	seq.s32 s10, $0x1;
	s10 =	sld [smem:$0x3FB0];
	_ =	sdelay $0x3  }
0x34: {  	[smem:$0x3FB0] =	sst s10  }
0x35: {  	s10 =	sld [smem:$0x3FAF];
	_ =	sdelay $0x3  }
0x36: {  	p1 =	seq.s32 s10, $0x1;
	s10 =	sld [smem:$0x3FB0];
	_ =	sdelay $0x3  }
0x37: {  	[smem:$0x3FB0] =	sst s10  }
0x38: {  	s10 =	sld [smem:$0x3FB1]  }
0x39: {  	_ = 	snop;
	(pc) =	sbr.ind lr, $3  }
0x3a: {  	_ = 	snop  }
0x3b: {  	_ = 	snop  }
0x3c: {  	p2 =	seq.s32 s10, $0x1;
	s10 =	sld [smem:$0x3FB0]  }
0x3d: {  	_ =	shalt  }
0x3e: {  	_ =	shalt  }
0x3f: {  	_ =	shalt  }
0x40: {  	_ =	shalt  }
0x41: {  	_ =	shalt  }
0x42: {  	_ =	shalt  }
0x43: {  	_ =	shalt  }
0x44: {  	_ =	shalt  }
0x45: {  	_ =	shalt  }
0x46: {  	_ =	shalt  }
0x47: {  	_ =	shalt  }
0x48: {  	_ =	shalt  }
0x49: {  	_ =	shalt  }
0x4a: {  	_ =	shalt  }
0x4b: {  	_ =	shalt  }
0x4c: {  	_ =	shalt  }
0x4d: {  	_ =	shalt  }
0x4e: {  	_ =	shalt  }
0x4f: {  	_ =	shalt  }
0x50: {  	_ =	shalt  }
0x51: {  	_ =	shalt  }
0x52: {  	_ =	shalt  }
0x53: {  	_ =	shalt  }
0x54: {  	_ =	shalt  }
0x55: {  	_ =	shalt  }
0x56: {  	_ =	shalt  }
0x57: {  	_ =	shalt  }
0x58: {  	_ =	shalt  }
0x59: {  	_ =	shalt  }
0x5a: {  	_ =	shalt  }
0x5b: {  	_ =	shalt  }
0x5c: {  	_ =	shalt  }
0x5d: {  	_ =	shalt  }
0x5e: {  	_ =	shalt  }
0x5f: {  	_ =	shalt  }
0x60: {  	_ =	shalt  }
0x61: {  	_ =	shalt  }
0x62: {  	_ =	shalt  }
0x63: {  	_ =	shalt  }
0x64: {  	_ =	shalt  }
0x65: {  	_ =	shalt  }
0x66: {  	_ =	shalt  }
0x67: {  	_ =	shalt  }
0x68: {  	_ =	shalt  }
0x69: {  	_ =	shalt  }
0x6a: {  	_ =	shalt  }
0x6b: {  	_ =	shalt  }
0x6c: {  	_ =	shalt  }
0x6d: {  	_ =	shalt  }
0x6e: {  	_ =	shalt  }
0x6f: {  	_ =	shalt  }
0x70: {  	_ =	shalt  }
0x71: {  	_ =	shalt  }
0x72: {  	_ =	shalt  }
0x73: {  	_ =	shalt  }
0x74: {  	_ =	shalt  }
0x75: {  	_ =	shalt  }
0x76: {  	_ =	shalt  }
0x77: {  	_ =	shalt  }
0x78: {  	_ =	shalt  }
0x79: {  	_ =	shalt  }
0x7a: {  	_ =	shalt  }
0x7b: {  	_ =	shalt  }
0x7c: {  	_ =	shalt  }
0x7d: {  	_ =	shalt  }
0x7e: {  	_ =	shalt  }
0x7f: {  	_ =	shalt  }
0x80: {  	_ =	shalt  }
0x81: {  	_ =	shalt  }
0x82: {  	_ =	shalt  }
0x83: {  	_ =	shalt  }
0x84: {  	_ =	shalt  }
0x85: {  	_ =	shalt  }
0x86: {  	_ =	shalt  }
0x87: {  	_ =	shalt  }
.Lfunc_end0:
.L_simem_size_0:
called_computation_lowered:
.L_overlay_start_0:
0x88: {  	s2 =	sld [smem:$0x3FD9]  }
0x89: {  	s3 =	sld [smem:$0x3FFE];
	_ =	sdelay $0x1  }
0x8a: {  	s1 =	srdreg.scid  }
0x8b: {  	s0 =	sand.u32 $0x1, s1  }
0x8c: {  	s14 =	sshll.u32 s0, $0xA;
	s2 =	sadd.s32 s3, s2  }
0x8d: {  	s2 =	sadd.s32 s2, s14  }
0x8e: {  	[smem:$0x3FBC] =	sst s2  }
0x8f: {  	_ = 	snop  }
0x90: {  	s2 =	sld [smem:$0x3FD0];
	_ =	sdelay $0x2  }
0x91: {  	s15 =	simm.s32 $0xA;
	s4 =	simm.s32 $0x10  }
0x92: {  	[smem:s4], [sflag:s15] =	dma.local [hbm:s2], $0x1  }
0x93: {  	_ =	swait.eq [sflag:s15], $0x1  }
0x94: {  	[sflag:s15] =	ssyncset.done $0x0  }
0x95: {  	[sflag:s15] =	ssyncadd.s32 $0xFFFFFFFF  }
0x96: {  	s16 =	sld [smem:$0x11];
	(tm) =	ssettm $0x1  }
0x97: {  	s17 =	sld [smem:$0x3FFB];
	_ =	sdelay $0x3  }
0x98: {  	_ =	strace s17  }
0x99: {  	s3 =	sld [smem:$0x3FFC];
	_ =	sdelay $0x3  }
0x9a: {  	_ =	strace s3  }
0x9b: {  	s3 =	sld [smem:$0x3FFD];
	_ =	sdelay $0x3  }
0x9c: {  	_ =	strace s3  }
0x9d: {  	_ =	strace $0x8FFFFFFF  }
0x9e: {  	s18 =	sld [smem:$0x3FDB];
	_ =	sdelay $0x1  }
0x9f: {  	s19 =	simm.s32 $_scs_section_size  }
0xa0: {  	s5 =	simm.s32 $_size__tile_overlayer_lowered;
	s6 =	simm.s32 $_tile_overlayer_lowered  }
0xa1: {  	s22 =	simm.s32 $0x1BFF;
	s21 =	sshll.u32 s6, $0x1;
	s3 =	sadd.s32 s19, s18  }
0xa2: {  	s7 =	simm.s32 $0x0;
	s20 =	sshll.u32 s5, $0x1;
	s5 =	sadd.s32 s21, s3  }
0xa3: {  	[timem:s7], [sflag:s22] =	dma.local [hbm:s5], s20  }
0xa4: {  	_ =	swait.ge [sflag:s22], s20  }
0xa5: {  	s4 =	ssub.s32 $0x0, s20;
	[sflag:s22] =	ssyncset.done $0x0  }
0xa6: {  	[sflag:s22] =	ssyncadd.s32 s4;
	_ =	sdelay $0x1  }
0xa7: {  	s23 =	simm.s32 $0x1B8B  }
0xa8: {  	_ =	swait.ge [sflag:s23], $0x1  }
0xa9: {  	[sflag:s23] =	ssyncset.done $0x0  }
0xaa: {  	s25 =	simm.s32 $0x1B8E;
	s24 =	sld [smem:$0x3FFE];
	[sflag:s23] =	ssyncadd.s32 $0xFFFFFFFF  }
0xab: {  	s26 =	simm.s32 $execute0_lowered;
	[smem:$0x3FD2] =	sst s25  }
0xac: {  	s5 =	sshll.u32 s26, $0x1;
	_ =	strace $0x80000046;
	[dreg:$0x1] =	wrdreg $0xFFFFFFFF  }
0xad: {  	s28 =	simm.s32 $_size_execute0_lowered;
	s3 =	sadd.s32 s3, s5;
	[dreg:$0x0] =	wrdreg $0x0  }
0xae: {  	s5 =	sshll.u32 s28, $0x1;
	[dreg:$0x2] =	wrdreg s3  }
0xaf: {  	[dreg:$0x3] =	wrdreg s5  }
0xb0: {  	[dreg:$0x4] =	wrdreg $0xC0  }
0xb1: {  	_ =	task [dreg:s7], $0x5FFFF  }
0xb2: {  	[dreg:$0x1] =	wrdreg $0xFFFFFFFF  }
0xb3: {  	[dreg:$0x0] =	wrdreg $0x60  }
0xb4: {  	[dreg:$0x2] =	wrdreg s24  }
0xb5: {  	[dreg:$0x3] =	wrdreg s16  }
0xb6: {  	[dreg:$0x4] =	wrdreg $0x9  }
0xb7: {  	_ =	task.clear_ibuf [dreg:s7], $0x5FFFF;
	_ =	strace $0x90000046  }
0xb8: {  	s29 =	simm.s32 $0x9;
	_ =	strace $0x80000048  }
0xb9: {  	_ =	swait.ge [sflag:s29], $0x1  }
0xba: {  	[sflag:s29] =	ssyncadd.s32 $0xFFFFFFFF  }
0xbb: {  	_ =	strace $0x90000048  }
0xbc: {  	_ =	sfence  }
0xbd: {  	s30 =	sld [smem:$0x0];
	_ =	sdelay $0x2  }
0xbe: {  	s31 =	sshll.u32 s1, $0xD;
	s1 =	sshrl.u32 s1, $0x2  }
0xbf: {  	s3 =	sand.u32 $0x4000, s31;
	s1 =	sadd.s32 s1, s30  }
0xc0: {  	s0 =	sor.u32 s3, s0;
	s1 =	sshll.u32 s1, $0x11  }
0xc1: {  	s0 =	sor.u32 s1, s0  }
0xc2: {  	s0 =	sadd.s32 $0x8F2B, s0  }
0xc3: {  	[sflag:s0] =	ssyncadd.remote.s32 $0x1  }
0xc4: {  	_ =	sfence.sel $0xFFFF  }
0xc5: {  	[dreg:$0x0] =	wrdreg $0xFFFFFFFF;
	(pc) =	sbr.abs _section_cstart, $3  }
0xc6: {  	[dreg:$0x1] =	wrdreg $0xFFFFFFFF  }
0xc7: {  	_ =	task.clear_ibuf [dreg:s7], $0x2FFFF;
	_ =	strace $0x9FFFFFFF  }
0xc8: {  	(tm) =	ssettm $0x7FFFFFFF  }
0xc9: {  	_ =	shalt  }
tec
execute0_lowered:
.L_overlay_start_1:
0x0: {  	(tag) =	ssettag $0x1  }
0x1: {  	s0 =	srdreg.scid;
	s2 =	stileid.u32  }
0x2: {  	s1 =	rddreg [dreg:$0x0];
	s18 =	simm.s32 $0x2;
	s30 =	simm.s32 $0x50  }
0x3: {  	s31 =	simm.s32 $0x6000;
	s13 =	simm.s32 $0xD800;
	s14 =	simm.s32 $0x10000  }
0x4: {  	s15 =	simm.s32 $0x12800;
	s16 =	simm.s32 $0x15000;
	s17 =	simm.s32 $0x17800  }
0x5: {  	s19 =	simm.s32 $0x1A000;
	s21 =	simm.s32 $0x1C800;
	s23 =	simm.s32 $0x1  }
0x6: {  	s25 =	simm.s32 $0x0;
	s0 =	sand.u32 $0x1, s0;
	s3 =	sshll.u32 s2, $0x1  }
0x7: {  	s4 =	sor.u32 s0, s3;
	s3 =	simm.s32 $0x0;
	s0 =	ssub.s32 $0x2, s0  }
0x8: {  	s4 =	smul.u32 $0x600, s4;
	[smem:$0x7FF] =	sst s3;
	s6 =	sshrl.u32 s0, $0x1  }
0x9: {  	s2 =	rddreg [dreg:$0x1];
	_ =	strace $0x80000047;
	s0 =	ssub.s32 s0, s6  }
0xa: {  	s5 =	sadd.s32 s4, s1;
	s4 =	sadd.s32 $0x2000, s1;
	s0 =	smax.u32 s0, $0x1  }
0xb: {  	s1 =	simm.s32 $0x8800;
	s29 =	sadd.s32 $0x3400, s5;
	s6 =	sadd.s32 $0xF400, s5  }
0xc: {  	[dreg:$0x4] =	wrdreg s0;
	s8 =	sadd.s32 $0x3500, s5;
	s9 =	sadd.s32 $0x3600, s5  }
0xd: {  	s10 =	sadd.s32 $0x3700, s5;
	s11 =	sadd.s32 $0x3800, s5;
	s12 =	sadd.s32 $0x3900, s5  }
0xe: {  	s0 =	simm.s32 $0xB000;
	[dreg:$0x3] =	wrdreg s29;
	s20 =	sadd.s32 $0x100, s6  }
0xf: {  	s22 =	sadd.s32 $0x200, s6;
	s24 =	sadd.s32 $0x300, s6;
	s26 =	sadd.s32 $0x400, s6  }
.LBB2_1:
0x10: {  	s5 =	rddreg [dreg:$0x3]  }
0x11: {  	[tilespmem:s3], [sflag:$0x2] =	stream.linear.gather [hbm4b:s5+s3], $0x500, $0x38;
	[tilespmem:$0x1F000] =	vst v63  }
0x12: {  	s7 =	simm.s32 $0x800  }
0x13: {  	[tilespmem:s7], [sflag:$0x2] =	stream.linear.gather [hbm4b:s8+s3], $0x500, $0x38;
	[tilespmem:$0x1F000] =	vst v63  }
0x14: {  	s7 =	simm.s32 $0x1000  }
0x15: {  	[tilespmem:s7], [sflag:$0x2] =	stream.linear.gather [hbm4b:s9+s3], $0x500, $0x38;
	[tilespmem:$0x1F000] =	vst v63  }
0x16: {  	s7 =	simm.s32 $0x1800  }
0x17: {  	[tilespmem:s7], [sflag:$0x2] =	stream.linear.gather [hbm4b:s10+s3], $0x500, $0x38;
	[tilespmem:$0x1F000] =	vst v63  }
0x18: {  	s7 =	simm.s32 $0x2000  }
0x19: {  	[tilespmem:s7], [sflag:$0x2] =	stream.linear.gather [hbm4b:s11+s3], $0x500, $0x38;
	[tilespmem:$0x1F000] =	vst v63  }
0x1a: {  	s7 =	simm.s32 $0x2800  }
0x1b: {  	[tilespmem:s7], [sflag:$0x2] =	stream.linear.gather [hbm4b:s12+s3], $0x500, $0x38;
	[tilespmem:$0x1F000] =	vst v63  }
0x1c: {  	_ =	swait.ge [sflag:s18], $0x1E00  }
0x1d: {  	[sflag:s18] =	ssyncset.done $0x0  }
0x1e: {  	s7 =	simm.s32 $0x3000;
	[sflag:s18] =	ssyncadd.s32 $0xFFFFE200  }
0x1f: {  	[tilespmem:s7], [sflag:$0x2] =	stream.linear.gather [hbm4b:s6+s3], $0x500, $0x38;
	[tilespmem:$0x1F000] =	vst v63  }
0x20: {  	s7 =	simm.s32 $0x3800  }
0x21: {  	[tilespmem:s7], [sflag:$0x2] =	stream.linear.gather [hbm4b:s20+s3], $0x500, $0x38;
	[tilespmem:$0x1F000] =	vst v63  }
0x22: {  	s7 =	simm.s32 $0x4000  }
0x23: {  	[tilespmem:s7], [sflag:$0x2] =	stream.linear.gather [hbm4b:s22+s3], $0x500, $0x38;
	[tilespmem:$0x1F000] =	vst v63  }
0x24: {  	s7 =	simm.s32 $0x4800  }
0x25: {  	[tilespmem:s7], [sflag:$0x2] =	stream.linear.gather [hbm4b:s24+s3], $0x500, $0x38;
	[tilespmem:$0x1F000] =	vst v63  }
0x26: {  	s7 =	simm.s32 $0x5000  }
0x27: {  	[tilespmem:s7], [sflag:$0x2] =	stream.linear.gather [hbm4b:s26+s3], $0x500, $0x38;
	[tilespmem:$0x1F000] =	vst v63  }
0x28: {  	s5 =	sadd.s32 $0x500, s6;
	s7 =	simm.s32 $0x5800  }
0x29: {  	[tilespmem:s7], [sflag:$0x2] =	stream.linear.gather [hbm4b:s5+s3], $0x500, $0x38;
	[tilespmem:$0x1F000] =	vst v63  }
0x2a: {  	_ =	swait.ge [sflag:s18], $0x1E00  }
0x2b: {  	[sflag:s18] =	ssyncset.done $0x0  }
0x2c: {  	s7 =	simm.s32 $0x0;
	[sflag:s18] =	ssyncadd.s32 $0xFFFFE200  }
0x2d: {  	[tilespmem:s31], [sflag:$0x1] =	stream.indirect.gather [hbm4b:s4+s30], $0x80, s7, s30, $0xb8;
	[tilespmem:$0x1F000] =	vst v63  }
0x2e: {  	s7 =	simm.s32 $0x80  }
0x2f: {  	[tilespmem:s1], [sflag:$0x1] =	stream.indirect.gather [hbm4b:s4+s30], $0x80, s7, s30, $0xb8;
	[tilespmem:$0x1F000] =	vst v63  }
0x30: {  	s7 =	simm.s32 $0x100  }
0x31: {  	[tilespmem:s0], [sflag:$0x1] =	stream.indirect.gather [hbm4b:s4+s30], $0x80, s7, s30, $0xb8;
	[tilespmem:$0x1F000] =	vst v63  }
0x32: {  	s7 =	simm.s32 $0x180  }
0x33: {  	[tilespmem:s13], [sflag:$0x1] =	stream.indirect.gather [hbm4b:s4+s30], $0x80, s7, s30, $0xb8;
	[tilespmem:$0x1F000] =	vst v63  }
0x34: {  	s7 =	simm.s32 $0x200  }
0x35: {  	[tilespmem:s14], [sflag:$0x1] =	stream.indirect.gather [hbm4b:s4+s30], $0x80, s7, s30, $0xb8;
	[tilespmem:$0x1F000] =	vst v63  }
0x36: {  	s7 =	simm.s32 $0x280  }
0x37: {  	[tilespmem:s15], [sflag:$0x1] =	stream.indirect.gather [hbm4b:s4+s30], $0x80, s7, s30, $0xb8;
	[tilespmem:$0x1F000] =	vst v63  }
0x38: {  	s7 =	simm.s32 $0x300  }
0x39: {  	[tilespmem:s16], [sflag:$0x1] =	stream.indirect.gather [hbm4b:s4+s30], $0x80, s7, s30, $0xb8;
	[tilespmem:$0x1F000] =	vst v63  }
0x3a: {  	s7 =	simm.s32 $0x380  }
0x3b: {  	[tilespmem:s17], [sflag:$0x1] =	stream.indirect.gather [hbm4b:s4+s30], $0x80, s7, s30, $0xb8;
	[tilespmem:$0x1F000] =	vst v63  }
0x3c: {  	s7 =	simm.s32 $0x400  }
0x3d: {  	[tilespmem:s19], [sflag:$0x1] =	stream.indirect.gather [hbm4b:s4+s30], $0x80, s7, s30, $0xb8;
	[tilespmem:$0x1F000] =	vst v63  }
0x3e: {  	s7 =	simm.s32 $0x480  }
0x3f: {  	[tilespmem:s21], [sflag:$0x1] =	stream.indirect.gather [hbm4b:s4+s30], $0x80, s7, s30, $0xb8;
	[tilespmem:$0x1F000] =	vst v63  }
0x40: {  	_ =	swait.ge [sflag:s23], $0x2800  }
0x41: {  	[sflag:s23] =	ssyncset.done $0x0  }
0x42: {  	[sflag:s23] =	ssyncadd.s32 $0xFFFFD800  }
0x43: {  	_ =	swait.ge [sflag:s23], $0x2800  }
0x44: {  	[sflag:s23] =	ssyncset.done $0x0  }
0x45: {  	[sflag:s23] =	ssyncadd.s32 $0xFFFFD800  }
0x46: {  	_ =	swait.ge [sflag:s23], $0x2800  }
0x47: {  	[sflag:s23] =	ssyncset.done $0x0  }
0x48: {  	[sflag:s23] =	ssyncadd.s32 $0xFFFFD800  }
0x49: {  	_ =	swait.ge [sflag:s23], $0x2800  }
0x4a: {  	[sflag:s23] =	ssyncset.done $0x0  }
0x4b: {  	[sflag:s23] =	ssyncadd.s32 $0xFFFFD800  }
0x4c: {  	_ =	swait.ge [sflag:s23], $0x2800  }
0x4d: {  	[sflag:s23] =	ssyncset.done $0x0  }
0x4e: {  	[sflag:s23] =	ssyncadd.s32 $0xFFFFD800  }
0x4f: {  	_ =	swait.ge [sflag:s23], $0x2800  }
0x50: {  	[sflag:s23] =	ssyncset.done $0x0  }
0x51: {  	[sflag:s23] =	ssyncadd.s32 $0xFFFFD800  }
0x52: {  	_ =	swait.ge [sflag:s23], $0x2800  }
0x53: {  	[sflag:s23] =	ssyncset.done $0x0  }
0x54: {  	[sflag:s23] =	ssyncadd.s32 $0xFFFFD800  }
0x55: {  	_ =	swait.ge [sflag:s23], $0x2800  }
0x56: {  	[sflag:s23] =	ssyncset.done $0x0  }
0x57: {  	[sflag:s23] =	ssyncadd.s32 $0xFFFFD800  }
0x58: {  	_ =	swait.ge [sflag:s23], $0x2800  }
0x59: {  	[sflag:s23] =	ssyncset.done $0x0  }
0x5a: {  	[sflag:s23] =	ssyncadd.s32 $0xFFFFD800  }
0x5b: {  	_ =	swait.ge [sflag:s23], $0x2800  }
0x5c: {  	[sflag:s23] =	ssyncset.done $0x0  }
0x5d: {  	s7 =	simm.s32 $0x3000;
	[sflag:s23] =	ssyncadd.s32 $0xFFFFD800  }
0x5e: {  	[hbm4b:s2+s30] =	stream.indirect.scatter [tilespmem:s31], [sflag:$0x1], $0x80, s7, s30, $0xb8;
	[tilespmem:$0x1F000] =	vst v63  }
0x5f: {  	s7 =	simm.s32 $0x3080  }
0x60: {  	[hbm4b:s2+s30] =	stream.indirect.scatter [tilespmem:s1], [sflag:$0x1], $0x80, s7, s30, $0xb8;
	[tilespmem:$0x1F000] =	vst v63  }
0x61: {  	s7 =	simm.s32 $0x3100  }
0x62: {  	[hbm4b:s2+s30] =	stream.indirect.scatter [tilespmem:s0], [sflag:$0x1], $0x80, s7, s30, $0xb8;
	[tilespmem:$0x1F000] =	vst v63  }
0x63: {  	s7 =	simm.s32 $0x3180  }
0x64: {  	[hbm4b:s2+s30] =	stream.indirect.scatter [tilespmem:s13], [sflag:$0x1], $0x80, s7, s30, $0xb8;
	[tilespmem:$0x1F000] =	vst v63  }
0x65: {  	s7 =	simm.s32 $0x3200  }
0x66: {  	[hbm4b:s2+s30] =	stream.indirect.scatter [tilespmem:s14], [sflag:$0x1], $0x80, s7, s30, $0xb8;
	[tilespmem:$0x1F000] =	vst v63  }
0x67: {  	s7 =	simm.s32 $0x3280  }
0x68: {  	[hbm4b:s2+s30] =	stream.indirect.scatter [tilespmem:s15], [sflag:$0x1], $0x80, s7, s30, $0xb8;
	[tilespmem:$0x1F000] =	vst v63  }
0x69: {  	s7 =	simm.s32 $0x3300  }
0x6a: {  	[hbm4b:s2+s30] =	stream.indirect.scatter [tilespmem:s16], [sflag:$0x1], $0x80, s7, s30, $0xb8;
	[tilespmem:$0x1F000] =	vst v63  }
0x6b: {  	s7 =	simm.s32 $0x3380  }
0x6c: {  	[hbm4b:s2+s30] =	stream.indirect.scatter [tilespmem:s17], [sflag:$0x1], $0x80, s7, s30, $0xb8;
	[tilespmem:$0x1F000] =	vst v63  }
0x6d: {  	s7 =	simm.s32 $0x3400  }
0x6e: {  	[hbm4b:s2+s30] =	stream.indirect.scatter [tilespmem:s19], [sflag:$0x1], $0x80, s7, s30, $0xb8;
	[tilespmem:$0x1F000] =	vst v63  }
0x6f: {  	s7 =	simm.s32 $0x3480  }
0x70: {  	[hbm4b:s2+s30] =	stream.indirect.scatter [tilespmem:s21], [sflag:$0x1], $0x80, s7, s30, $0xb8;
	[tilespmem:$0x1F000] =	vst v63  }
0x71: {  	_ =	swait.ge [sflag:s23], $0x2800  }
0x72: {  	[sflag:s23] =	ssyncset.done $0x0  }
0x73: {  	[sflag:s23] =	ssyncadd.s32 $0xFFFFD800  }
0x74: {  	_ =	swait.ge [sflag:s23], $0x2800  }
0x75: {  	[sflag:s23] =	ssyncset.done $0x0  }
0x76: {  	[sflag:s23] =	ssyncadd.s32 $0xFFFFD800  }
0x77: {  	_ =	swait.ge [sflag:s23], $0x2800  }
0x78: {  	[sflag:s23] =	ssyncset.done $0x0  }
0x79: {  	[sflag:s23] =	ssyncadd.s32 $0xFFFFD800  }
0x7a: {  	_ =	swait.ge [sflag:s23], $0x2800  }
0x7b: {  	[sflag:s23] =	ssyncset.done $0x0  }
0x7c: {  	[sflag:s23] =	ssyncadd.s32 $0xFFFFD800  }
0x7d: {  	_ =	swait.ge [sflag:s23], $0x2800  }
0x7e: {  	[sflag:s23] =	ssyncset.done $0x0  }
0x7f: {  	[sflag:s23] =	ssyncadd.s32 $0xFFFFD800  }
0x80: {  	_ =	swait.ge [sflag:s23], $0x2800  }
0x81: {  	[sflag:s23] =	ssyncset.done $0x0  }
0x82: {  	[sflag:s23] =	ssyncadd.s32 $0xFFFFD800  }
0x83: {  	_ =	swait.ge [sflag:s23], $0x2800  }
0x84: {  	[sflag:s23] =	ssyncset.done $0x0  }
0x85: {  	[sflag:s23] =	ssyncadd.s32 $0xFFFFD800  }
0x86: {  	_ =	swait.ge [sflag:s23], $0x2800  }
0x87: {  	[sflag:s23] =	ssyncset.done $0x0  }
0x88: {  	[sflag:s23] =	ssyncadd.s32 $0xFFFFD800  }
0x89: {  	_ =	swait.ge [sflag:s23], $0x2800  }
0x8a: {  	[sflag:s23] =	ssyncset.done $0x0  }
0x8b: {  	[sflag:s23] =	ssyncadd.s32 $0xFFFFD800  }
0x8c: {  	_ =	swait.ge [sflag:s23], $0x2800  }
0x8d: {  	s28 =	simm.s32 $0x2000;
	s29 =	simm.s32 $0x4000;
	[sflag:s23] =	ssyncset.done $0x0  }
.LBB2_2:
0x8e: {  	s5 =	sshra.s32 s28, $0x2  }
0x8f: {  	[sflag:s23] =	ssyncadd.s32 $0xFFFFD800;
	s28 =	smov.u32 s29;
	s7 =	sadd.s32 $0x2000, s29  }
0x90: {  	[tilespmem:s31], [sflag:$0x1] =	stream.indirect.gather [hbm4b:s4+s30], $0x80, s5, s30, $0xb8;
	[tilespmem:$0x1F000] =	vst v63  }
0x91: {  	p0 =	sne.s32 s29, $0xA000;
	s29 =	sadd.s32 $0x80, s5  }
0x92: {  	[tilespmem:s1], [sflag:$0x1] =	stream.indirect.gather [hbm4b:s4+s30], $0x80, s29, s30, $0xb8;
	[tilespmem:$0x1F000] =	vst v63  }
0x93: {  	s29 =	sadd.s32 $0x100, s5  }
0x94: {  	[tilespmem:s0], [sflag:$0x1] =	stream.indirect.gather [hbm4b:s4+s30], $0x80, s29, s30, $0xb8;
	[tilespmem:$0x1F000] =	vst v63  }
0x95: {  	s29 =	sadd.s32 $0x180, s5  }
0x96: {  	[tilespmem:s13], [sflag:$0x1] =	stream.indirect.gather [hbm4b:s4+s30], $0x80, s29, s30, $0xb8;
	[tilespmem:$0x1F000] =	vst v63  }
0x97: {  	s29 =	sadd.s32 $0x200, s5  }
0x98: {  	[tilespmem:s14], [sflag:$0x1] =	stream.indirect.gather [hbm4b:s4+s30], $0x80, s29, s30, $0xb8;
	[tilespmem:$0x1F000] =	vst v63  }
0x99: {  	s29 =	sadd.s32 $0x280, s5  }
0x9a: {  	[tilespmem:s15], [sflag:$0x1] =	stream.indirect.gather [hbm4b:s4+s30], $0x80, s29, s30, $0xb8;
	[tilespmem:$0x1F000] =	vst v63  }
0x9b: {  	s29 =	sadd.s32 $0x300, s5  }
0x9c: {  	[tilespmem:s16], [sflag:$0x1] =	stream.indirect.gather [hbm4b:s4+s30], $0x80, s29, s30, $0xb8;
	[tilespmem:$0x1F000] =	vst v63  }
0x9d: {  	s29 =	sadd.s32 $0x380, s5  }
0x9e: {  	[tilespmem:s17], [sflag:$0x1] =	stream.indirect.gather [hbm4b:s4+s30], $0x80, s29, s30, $0xb8;
	[tilespmem:$0x1F000] =	vst v63  }
0x9f: {  	s29 =	sadd.s32 $0x400, s5  }
0xa0: {  	[tilespmem:s19], [sflag:$0x1] =	stream.indirect.gather [hbm4b:s4+s30], $0x80, s29, s30, $0xb8;
	[tilespmem:$0x1F000] =	vst v63  }
0xa1: {  	s29 =	sadd.s32 $0x480, s5  }
0xa2: {  	[tilespmem:s21], [sflag:$0x1] =	stream.indirect.gather [hbm4b:s4+s30], $0x80, s29, s30, $0xb8;
	[tilespmem:$0x1F000] =	vst v63  }
0xa3: {  	_ =	swait.ge [sflag:s23], $0x2800  }
0xa4: {  	[sflag:s23] =	ssyncset.done $0x0  }
0xa5: {  	[sflag:s23] =	ssyncadd.s32 $0xFFFFD800  }
0xa6: {  	_ =	swait.ge [sflag:s23], $0x2800  }
0xa7: {  	[sflag:s23] =	ssyncset.done $0x0  }
0xa8: {  	[sflag:s23] =	ssyncadd.s32 $0xFFFFD800  }
0xa9: {  	_ =	swait.ge [sflag:s23], $0x2800  }
0xaa: {  	[sflag:s23] =	ssyncset.done $0x0  }
0xab: {  	[sflag:s23] =	ssyncadd.s32 $0xFFFFD800  }
0xac: {  	_ =	swait.ge [sflag:s23], $0x2800  }
0xad: {  	[sflag:s23] =	ssyncset.done $0x0  }
0xae: {  	[sflag:s23] =	ssyncadd.s32 $0xFFFFD800  }
0xaf: {  	_ =	swait.ge [sflag:s23], $0x2800  }
0xb0: {  	[sflag:s23] =	ssyncset.done $0x0  }
0xb1: {  	[sflag:s23] =	ssyncadd.s32 $0xFFFFD800  }
0xb2: {  	_ =	swait.ge [sflag:s23], $0x2800  }
0xb3: {  	[sflag:s23] =	ssyncset.done $0x0  }
0xb4: {  	[sflag:s23] =	ssyncadd.s32 $0xFFFFD800  }
0xb5: {  	_ =	swait.ge [sflag:s23], $0x2800  }
0xb6: {  	[sflag:s23] =	ssyncset.done $0x0  }
0xb7: {  	[sflag:s23] =	ssyncadd.s32 $0xFFFFD800  }
0xb8: {  	_ =	swait.ge [sflag:s23], $0x2800  }
0xb9: {  	[sflag:s23] =	ssyncset.done $0x0  }
0xba: {  	[sflag:s23] =	ssyncadd.s32 $0xFFFFD800  }
0xbb: {  	_ =	swait.ge [sflag:s23], $0x2800  }
0xbc: {  	[sflag:s23] =	ssyncset.done $0x0  }
0xbd: {  	[sflag:s23] =	ssyncadd.s32 $0xFFFFD800  }
0xbe: {  	_ =	swait.ge [sflag:s23], $0x2800  }
0xbf: {  	[sflag:s23] =	ssyncset.done $0x0  }
0xc0: {  	s29 =	sadd.s32 $0x3000, s5;
	[sflag:s23] =	ssyncadd.s32 $0xFFFFD800  }
0xc1: {  	[hbm4b:s2+s30] =	stream.indirect.scatter [tilespmem:s31], [sflag:$0x1], $0x80, s29, s30, $0xb8;
	[tilespmem:$0x1F000] =	vst v63  }
0xc2: {  	s29 =	sadd.s32 $0x3080, s5  }
0xc3: {  	[hbm4b:s2+s30] =	stream.indirect.scatter [tilespmem:s1], [sflag:$0x1], $0x80, s29, s30, $0xb8;
	[tilespmem:$0x1F000] =	vst v63  }
0xc4: {  	s29 =	sadd.s32 $0x3100, s5  }
0xc5: {  	[hbm4b:s2+s30] =	stream.indirect.scatter [tilespmem:s0], [sflag:$0x1], $0x80, s29, s30, $0xb8;
	[tilespmem:$0x1F000] =	vst v63  }
0xc6: {  	s29 =	sadd.s32 $0x3180, s5  }
0xc7: {  	[hbm4b:s2+s30] =	stream.indirect.scatter [tilespmem:s13], [sflag:$0x1], $0x80, s29, s30, $0xb8;
	[tilespmem:$0x1F000] =	vst v63  }
0xc8: {  	s29 =	sadd.s32 $0x3200, s5  }
0xc9: {  	[hbm4b:s2+s30] =	stream.indirect.scatter [tilespmem:s14], [sflag:$0x1], $0x80, s29, s30, $0xb8;
	[tilespmem:$0x1F000] =	vst v63  }
0xca: {  	s29 =	sadd.s32 $0x3280, s5  }
0xcb: {  	[hbm4b:s2+s30] =	stream.indirect.scatter [tilespmem:s15], [sflag:$0x1], $0x80, s29, s30, $0xb8;
	[tilespmem:$0x1F000] =	vst v63  }
0xcc: {  	s29 =	sadd.s32 $0x3300, s5  }
0xcd: {  	[hbm4b:s2+s30] =	stream.indirect.scatter [tilespmem:s16], [sflag:$0x1], $0x80, s29, s30, $0xb8;
	[tilespmem:$0x1F000] =	vst v63  }
0xce: {  	s29 =	sadd.s32 $0x3380, s5  }
0xcf: {  	[hbm4b:s2+s30] =	stream.indirect.scatter [tilespmem:s17], [sflag:$0x1], $0x80, s29, s30, $0xb8;
	[tilespmem:$0x1F000] =	vst v63  }
0xd0: {  	s29 =	sadd.s32 $0x3400, s5  }
0xd1: {  	[hbm4b:s2+s30] =	stream.indirect.scatter [tilespmem:s19], [sflag:$0x1], $0x80, s29, s30, $0xb8;
	[tilespmem:$0x1F000] =	vst v63  }
0xd2: {  	s5 =	sadd.s32 $0x3480, s5  }
0xd3: {  	[hbm4b:s2+s30] =	stream.indirect.scatter [tilespmem:s21], [sflag:$0x1], $0x80, s5, s30, $0xb8;
	[tilespmem:$0x1F000] =	vst v63  }
0xd4: {  	_ =	swait.ge [sflag:s23], $0x2800  }
0xd5: {  	[sflag:s23] =	ssyncset.done $0x0  }
0xd6: {  	[sflag:s23] =	ssyncadd.s32 $0xFFFFD800  }
0xd7: {  	_ =	swait.ge [sflag:s23], $0x2800  }
0xd8: {  	[sflag:s23] =	ssyncset.done $0x0  }
0xd9: {  	[sflag:s23] =	ssyncadd.s32 $0xFFFFD800  }
0xda: {  	_ =	swait.ge [sflag:s23], $0x2800  }
0xdb: {  	[sflag:s23] =	ssyncset.done $0x0  }
0xdc: {  	[sflag:s23] =	ssyncadd.s32 $0xFFFFD800  }
0xdd: {  	_ =	swait.ge [sflag:s23], $0x2800  }
0xde: {  	[sflag:s23] =	ssyncset.done $0x0  }
0xdf: {  	[sflag:s23] =	ssyncadd.s32 $0xFFFFD800  }
0xe0: {  	_ =	swait.ge [sflag:s23], $0x2800  }
0xe1: {  	[sflag:s23] =	ssyncset.done $0x0  }
0xe2: {  	[sflag:s23] =	ssyncadd.s32 $0xFFFFD800  }
0xe3: {  	_ =	swait.ge [sflag:s23], $0x2800  }
0xe4: {  	[sflag:s23] =	ssyncset.done $0x0  }
0xe5: {  	[sflag:s23] =	ssyncadd.s32 $0xFFFFD800  }
0xe6: {  	_ =	swait.ge [sflag:s23], $0x2800  }
0xe7: {  	[sflag:s23] =	ssyncset.done $0x0  }
0xe8: {  	[sflag:s23] =	ssyncadd.s32 $0xFFFFD800  }
0xe9: {  	_ =	swait.ge [sflag:s23], $0x2800  }
0xea: {  	[sflag:s23] =	ssyncset.done $0x0  }
0xeb: {  	[sflag:s23] =	ssyncadd.s32 $0xFFFFD800  }
.Ltmp0:
0xec: {  	_ =	swait.ge [sflag:s23], $0x2800;
	(pc) =	sbr.rel @p0 .LBB2_2-.Ltmp0, $4  }
0xed: {  	[sflag:s23] =	ssyncset.done $0x0  }
0xee: {  	[sflag:s23] =	ssyncadd.s32 $0xFFFFD800  }
0xef: {  	_ =	swait.ge [sflag:s23], $0x2800  }
0xf0: {  	s29 =	smov.u32 s7;
	[sflag:s23] =	ssyncset.done $0x0  }
0xf1: {  	s5 =	sshra.s32 s28, $0x2;
	[sflag:s23] =	ssyncadd.s32 $0xFFFFD800  }
0xf2: {  	[tilespmem:s31], [sflag:$0x1] =	stream.indirect.gather [hbm4b:s4+s30], $0x80, s5, s30, $0xb8;
	[tilespmem:$0x1F000] =	vst v63  }
0xf3: {  	s7 =	sadd.s32 $0x80, s5  }
0xf4: {  	[tilespmem:s1], [sflag:$0x1] =	stream.indirect.gather [hbm4b:s4+s30], $0x80, s7, s30, $0xb8;
	[tilespmem:$0x1F000] =	vst v63  }
0xf5: {  	s28 =	sadd.s32 $0x100, s5  }
0xf6: {  	[tilespmem:s0], [sflag:$0x1] =	stream.indirect.gather [hbm4b:s4+s30], $0x80, s28, s30, $0xb8;
	[tilespmem:$0x1F000] =	vst v63  }
0xf7: {  	s29 =	sadd.s32 $0x180, s5  }
0xf8: {  	[tilespmem:s13], [sflag:$0x1] =	stream.indirect.gather [hbm4b:s4+s30], $0x80, s29, s30, $0xb8;
	[tilespmem:$0x1F000] =	vst v63  }
0xf9: {  	s28 =	sadd.s32 $0x200, s5  }
0xfa: {  	[tilespmem:s14], [sflag:$0x1] =	stream.indirect.gather [hbm4b:s4+s30], $0x80, s28, s30, $0xb8;
	[tilespmem:$0x1F000] =	vst v63  }
0xfb: {  	s29 =	sadd.s32 $0x280, s5  }
0xfc: {  	[tilespmem:s15], [sflag:$0x1] =	stream.indirect.gather [hbm4b:s4+s30], $0x80, s29, s30, $0xb8;
	[tilespmem:$0x1F000] =	vst v63  }
0xfd: {  	s28 =	sadd.s32 $0x300, s5  }
0xfe: {  	[tilespmem:s16], [sflag:$0x1] =	stream.indirect.gather [hbm4b:s4+s30], $0x80, s28, s30, $0xb8;
	[tilespmem:$0x1F000] =	vst v63  }
0xff: {  	s29 =	sadd.s32 $0x380, s5  }
0x100: {  	[tilespmem:s17], [sflag:$0x1] =	stream.indirect.gather [hbm4b:s4+s30], $0x80, s29, s30, $0xb8;
	[tilespmem:$0x1F000] =	vst v63  }
0x101: {  	s28 =	sadd.s32 $0x400, s5  }
0x102: {  	[tilespmem:s19], [sflag:$0x1] =	stream.indirect.gather [hbm4b:s4+s30], $0x80, s28, s30, $0xb8;
	[tilespmem:$0x1F000] =	vst v63  }
0x103: {  	s29 =	sadd.s32 $0x480, s5  }
0x104: {  	[tilespmem:s21], [sflag:$0x1] =	stream.indirect.gather [hbm4b:s4+s30], $0x80, s29, s30, $0xb8;
	[tilespmem:$0x1F000] =	vst v63  }
0x105: {  	_ =	swait.ge [sflag:s23], $0x2800  }
0x106: {  	[sflag:s23] =	ssyncset.done $0x0  }
0x107: {  	[sflag:s23] =	ssyncadd.s32 $0xFFFFD800  }
0x108: {  	_ =	swait.ge [sflag:s23], $0x2800  }
0x109: {  	[sflag:s23] =	ssyncset.done $0x0  }
0x10a: {  	[sflag:s23] =	ssyncadd.s32 $0xFFFFD800  }
0x10b: {  	_ =	swait.ge [sflag:s23], $0x2800  }
0x10c: {  	[sflag:s23] =	ssyncset.done $0x0  }
0x10d: {  	[sflag:s23] =	ssyncadd.s32 $0xFFFFD800  }
0x10e: {  	_ =	swait.ge [sflag:s23], $0x2800  }
0x10f: {  	[sflag:s23] =	ssyncset.done $0x0  }
0x110: {  	[sflag:s23] =	ssyncadd.s32 $0xFFFFD800  }
0x111: {  	_ =	swait.ge [sflag:s23], $0x2800  }
0x112: {  	[sflag:s23] =	ssyncset.done $0x0  }
0x113: {  	[sflag:s23] =	ssyncadd.s32 $0xFFFFD800  }
0x114: {  	_ =	swait.ge [sflag:s23], $0x2800  }
0x115: {  	[sflag:s23] =	ssyncset.done $0x0  }
0x116: {  	[sflag:s23] =	ssyncadd.s32 $0xFFFFD800  }
0x117: {  	_ =	swait.ge [sflag:s23], $0x2800  }
0x118: {  	[sflag:s23] =	ssyncset.done $0x0  }
0x119: {  	[sflag:s23] =	ssyncadd.s32 $0xFFFFD800  }
0x11a: {  	_ =	swait.ge [sflag:s23], $0x2800  }
0x11b: {  	[sflag:s23] =	ssyncset.done $0x0  }
0x11c: {  	[sflag:s23] =	ssyncadd.s32 $0xFFFFD800  }
0x11d: {  	_ =	swait.ge [sflag:s23], $0x2800  }
0x11e: {  	[sflag:s23] =	ssyncset.done $0x0  }
0x11f: {  	[sflag:s23] =	ssyncadd.s32 $0xFFFFD800  }
0x120: {  	_ =	swait.ge [sflag:s23], $0x2800  }
0x121: {  	[sflag:s23] =	ssyncset.done $0x0  }
0x122: {  	s28 =	sadd.s32 $0x3000, s5;
	[sflag:s23] =	ssyncadd.s32 $0xFFFFD800  }
0x123: {  	[hbm4b:s2+s30] =	stream.indirect.scatter [tilespmem:s31], [sflag:$0x1], $0x80, s28, s30, $0xb8;
	[tilespmem:$0x1F000] =	vst v63  }
0x124: {  	s29 =	sadd.s32 $0x3080, s5  }
0x125: {  	[hbm4b:s2+s30] =	stream.indirect.scatter [tilespmem:s1], [sflag:$0x1], $0x80, s29, s30, $0xb8;
	[tilespmem:$0x1F000] =	vst v63  }
0x126: {  	s28 =	sadd.s32 $0x3100, s5  }
0x127: {  	[hbm4b:s2+s30] =	stream.indirect.scatter [tilespmem:s0], [sflag:$0x1], $0x80, s28, s30, $0xb8;
	[tilespmem:$0x1F000] =	vst v63  }
0x128: {  	s29 =	sadd.s32 $0x3180, s5  }
0x129: {  	[hbm4b:s2+s30] =	stream.indirect.scatter [tilespmem:s13], [sflag:$0x1], $0x80, s29, s30, $0xb8;
	[tilespmem:$0x1F000] =	vst v63  }
0x12a: {  	s28 =	sadd.s32 $0x3200, s5  }
0x12b: {  	[hbm4b:s2+s30] =	stream.indirect.scatter [tilespmem:s14], [sflag:$0x1], $0x80, s28, s30, $0xb8;
	[tilespmem:$0x1F000] =	vst v63  }
0x12c: {  	s29 =	sadd.s32 $0x3280, s5  }
0x12d: {  	[hbm4b:s2+s30] =	stream.indirect.scatter [tilespmem:s15], [sflag:$0x1], $0x80, s29, s30, $0xb8;
	[tilespmem:$0x1F000] =	vst v63  }
0x12e: {  	s28 =	sadd.s32 $0x3300, s5  }
0x12f: {  	[hbm4b:s2+s30] =	stream.indirect.scatter [tilespmem:s16], [sflag:$0x1], $0x80, s28, s30, $0xb8;
	[tilespmem:$0x1F000] =	vst v63  }
0x130: {  	s29 =	sadd.s32 $0x3380, s5  }
0x131: {  	[hbm4b:s2+s30] =	stream.indirect.scatter [tilespmem:s17], [sflag:$0x1], $0x80, s29, s30, $0xb8;
	[tilespmem:$0x1F000] =	vst v63  }
0x132: {  	s28 =	sadd.s32 $0x3400, s5  }
0x133: {  	[hbm4b:s2+s30] =	stream.indirect.scatter [tilespmem:s19], [sflag:$0x1], $0x80, s28, s30, $0xb8;
	[tilespmem:$0x1F000] =	vst v63  }
0x134: {  	s5 =	sadd.s32 $0x3480, s5  }
0x135: {  	[hbm4b:s2+s30] =	stream.indirect.scatter [tilespmem:s21], [sflag:$0x1], $0x80, s5, s30, $0xb8;
	[tilespmem:$0x1F000] =	vst v63  }
0x136: {  	_ =	swait.ge [sflag:s23], $0x2800  }
0x137: {  	[sflag:s23] =	ssyncset.done $0x0  }
0x138: {  	[sflag:s23] =	ssyncadd.s32 $0xFFFFD800  }
0x139: {  	_ =	swait.ge [sflag:s23], $0x2800  }
0x13a: {  	[sflag:s23] =	ssyncset.done $0x0  }
0x13b: {  	[sflag:s23] =	ssyncadd.s32 $0xFFFFD800  }
0x13c: {  	_ =	swait.ge [sflag:s23], $0x2800  }
0x13d: {  	[sflag:s23] =	ssyncset.done $0x0  }
0x13e: {  	[sflag:s23] =	ssyncadd.s32 $0xFFFFD800  }
0x13f: {  	_ =	swait.ge [sflag:s23], $0x2800  }
0x140: {  	[sflag:s23] =	ssyncset.done $0x0  }
0x141: {  	[sflag:s23] =	ssyncadd.s32 $0xFFFFD800  }
0x142: {  	_ =	swait.ge [sflag:s23], $0x2800  }
0x143: {  	[sflag:s23] =	ssyncset.done $0x0  }
0x144: {  	[sflag:s23] =	ssyncadd.s32 $0xFFFFD800  }
0x145: {  	_ =	swait.ge [sflag:s23], $0x2800  }
0x146: {  	[sflag:s23] =	ssyncset.done $0x0  }
0x147: {  	[sflag:s23] =	ssyncadd.s32 $0xFFFFD800  }
0x148: {  	_ =	swait.ge [sflag:s23], $0x2800  }
0x149: {  	[sflag:s23] =	ssyncset.done $0x0  }
0x14a: {  	[sflag:s23] =	ssyncadd.s32 $0xFFFFD800  }
0x14b: {  	_ =	swait.ge [sflag:s23], $0x2800  }
0x14c: {  	[sflag:s23] =	ssyncset.done $0x0  }
0x14d: {  	[sflag:s23] =	ssyncadd.s32 $0xFFFFD800  }
0x14e: {  	_ =	swait.ge [sflag:s23], $0x2800  }
0x14f: {  	[sflag:s23] =	ssyncset.done $0x0  }
0x150: {  	[sflag:s23] =	ssyncadd.s32 $0xFFFFD800  }
0x151: {  	_ =	swait.ge [sflag:s23], $0x2800  }
0x152: {  	s25 =	sadd.s32 $0x1, s25;
	s29 =	rddreg [dreg:$0x4]  }
0x153: {  	p0 =	sne.s32 s25, s29  }
.Ltmp1:
0x154: {  	_ = 	snop;
	(pc) =	sbr.rel @p0 .LBB2_1-.Ltmp1, $3  }
0x155: {  	_ =	sdelay $0x1  }
0x156: {  	[sflag:s23] =	ssyncset.done $0x0  }
0x157: {  	[sflag:s23] =	ssyncadd.s32 $0xFFFFD800  }
0x158: {  	_ =	sfence.sel $0x180000  }
0x159: {  	[bflag:$0x0] =	sbarrier.arrive $0xFFFF  }
0x15a: {  	_ =	strace $0x90000047  }
0x15b: {  	s0 =	stileid.u32;
	[bflag:$0x2] =	sbarrier.arrive $0xFFFF  }
0x15c: {  	p0 =	sne.s32 s0, $0x0;
	s0 =	rddreg [dreg:$0x2]  }
0x15d: {  	s0 =	sadd.s32 @!p0 $0x100000, s0  }
0x15e: {  	[sflag:s0] =	ssyncadd.tile.s32 @!p0 $0x1;
	_ =	shalt  }
.Lfunc_end2:
_tile_overlayer_lowered:
.L_overlay_start_2:
0x15f: {  	(tag) =	ssettag $0x2  }
0x160: {  	s0 =	rddreg [dreg:$0x0];
	s2 =	stileid.u32  }
0x161: {  	s1 =	rddreg [dreg:$0x1];
	p0 =	sne.s32 s2, $0x0  }
0x162: {  	s3 =	rddreg [dreg:$0x2];
	[bflag:$0x3] =	sbarrier.arrive $0xFFFF;
	s2 =	simm.s32 @!p0 $0x1C02  }
0x163: {  	[timem:s3], [sflag:s2] =	dma.local @!p0 [hbm:s0], s1  }
0x164: {  	s0 =	simm.s32 @!p0 $0x2  }
0x165: {  	_ =	swait.ge @!p0 [sflag:s0], s1  }
0x166: {  	s1 =	ssub.s32 @!p0 $0x0, s1;
	[sflag:s0] =	ssyncset.done @!p0 $0x0  }
0x167: {  	[sflag:s0] =	ssyncadd.s32 @!p0 s1  }
0x168: {  	[bflag:$0x3] =	sbarrier.arrive $0xFFFF  }
0x169: {  	_ =	shalt  }

</sc_bundles>
